<compile_context>
chip_gen: v7x
topology: tpu7x:2x2x1
jax: 0.10.2.dev20260603
libtpu: 0.0.44.dev20260713+nightly
codegen_flags: <defaults>
</compile_context>

<pallas_src>
import functools

import jax
import jax.numpy as jnp
from jax.experimental import pallas as pl
from jax.experimental.pallas import tpu as pltpu
from jax.experimental.pallas import tpu_sc as plsc

_CHUNK = 128
_NBUF = 5
_LAG = 3


def kernel(x, table):
    B, S = x.shape
    V, D = table.shape
    n = B * S
    NW = 32
    per_w = n // NW
    nch = per_w // _CHUNK
    assert per_w % _CHUNK == 0 and nch % _NBUF == 0 and _LAG < _NBUF
    idx = x.reshape(NW, nch, _CHUNK).astype(jnp.int32)

    mesh = plsc.VectorSubcoreMesh(
        core_axis_name="core", subcore_axis_name="subcore"
    )

    scratch = (
        [pltpu.VMEM((nch, _CHUNK), jnp.int32)]
        + [pltpu.VMEM((_CHUNK, D), jnp.float32) for _ in range(_NBUF)]
        + [pltpu.SemaphoreType.DMA for _ in range(2 * _NBUF + 1)]
    )

    @functools.partial(
        pl.kernel,
        out_type=jax.ShapeDtypeStruct((n, D), table.dtype),
        mesh=mesh,
        scratch_types=scratch,
    )
    def gather_kernel(tab_hbm, idx_hbm, out_hbm, idx_v, *rest):
        bufs = rest[:_NBUF]
        gsem = rest[_NBUF : 2 * _NBUF]
        wsem = rest[2 * _NBUF : 3 * _NBUF]
        isem = rest[3 * _NBUF]
        wid = jax.lax.axis_index("subcore") * 2 + jax.lax.axis_index("core")
        base = wid * per_w

        head = 8
        pltpu.sync_copy(
            idx_hbm.at[wid, pl.ds(0, head)], idx_v.at[pl.ds(0, head)]
        )
        rest_idx = pltpu.async_copy(
            idx_hbm.at[wid, pl.ds(head, nch - head)],
            idx_v.at[pl.ds(head, nch - head)],
            isem,
        )

        def start_gather(g, b):
            return pltpu.async_copy(
                tab_hbm.at[idx_v.at[g]], bufs[b], gsem[b]
            )

        def start_write(g, b):
            return pltpu.async_copy(
                bufs[b], out_hbm.at[pl.ds(base + g * _CHUNK, _CHUNK)], wsem[b]
            )

        def wait_gather(g, b):
            pltpu.make_async_copy(tab_hbm.at[idx_v.at[g]], bufs[b], gsem[b]).wait()

        def wait_write(g, b):
            pltpu.make_async_copy(
                bufs[b], out_hbm.at[pl.ds(base + g * _CHUNK, _CHUNK)], wsem[b]
            ).wait()

        for b in range(_NBUF):
            start_gather(b, b)
            if b >= _LAG:
                g2 = b - _LAG
                wait_gather(g2, g2 % _NBUF)
                start_write(g2, g2 % _NBUF)

        rest_idx.wait()

        @pl.loop(1, nch // _NBUF)
        def _(grp):
            g0 = grp * _NBUF
            for b in range(_NBUF):
                g = g0 + b
                wait_write(g - _NBUF, b)
                start_gather(g, b)
                b2 = (b - _LAG) % _NBUF
                wait_gather(g - _LAG, b2)
                start_write(g - _LAG, b2)

        for k in range(_LAG):
            g2 = nch - _LAG + k
            b2 = g2 % _NBUF
            wait_gather(g2, b2)
            start_write(g2, b2)
        for k in range(_NBUF):
            g = nch - _NBUF + k
            wait_write(g, g % _NBUF)

    out = gather_kernel(table, idx)
    return out.reshape(B, S, D)

# --- scband reference (transcript-rebuilt; emitter-appended) ---
"""Pipeline reference for scband-embedding-table-69973607186501 (READ-ONLY COPY).

The authoritative reference and input builder live on the scoring server;
editing this copy changes nothing except your own understanding.
"""

import jax, jax.numpy as jnp
import numpy as np

VOCAB = 100000
D_MODEL = 128


def setup_inputs(seed: int = 0) -> dict:
    key = jax.random.key(seed)
    k_idx, k_tab = jax.random.split(key)
    x = jax.random.randint(k_idx, (1024, 200), 0, VOCAB, dtype=jnp.int64 if jax.config.jax_enable_x64 else jnp.int32)
    table = jax.random.normal(k_tab, (VOCAB, D_MODEL), dtype=jnp.float32) * 0.02
    return {"x": x, "table": table}


def reference(x, table):
    # EmbeddingTable.forward: return self.table[x]
    return jnp.take(table, x, axis=0)

if __name__ == "__main__":
    import jax
    _d = setup_inputs()
    print(jax.jit(kernel)(*tuple(_d.values())))

</pallas_src>

<mosaic_0001>
#map = affine_map<(d0, d1) -> (0, 0)>
#map1 = affine_map<(d0, d1) -> (0, 0, 0)>
module attributes {stable_mosaic.version = 14 : i64} {
  func.func @gather_kernel(%arg0: i32, %arg1: i32, %arg2: memref<100000x128xf32, #tpu.memory_space<hbm>>, %arg3: memref<32x50x128xi32, #tpu.memory_space<hbm>>, %arg4: memref<204800x128xf32, #tpu.memory_space<hbm>>, %arg5: memref<50x128xi32, #tpu.memory_space<vmem>>, %arg6: memref<128x128xf32, #tpu.memory_space<vmem>>, %arg7: memref<128x128xf32, #tpu.memory_space<vmem>>, %arg8: memref<128x128xf32, #tpu.memory_space<vmem>>, %arg9: memref<128x128xf32, #tpu.memory_space<vmem>>, %arg10: memref<128x128xf32, #tpu.memory_space<vmem>>, %arg11: memref<!tpu.dma_semaphore, #tpu.memory_space<semaphore_mem>>, %arg12: memref<!tpu.dma_semaphore, #tpu.memory_space<semaphore_mem>>, %arg13: memref<!tpu.dma_semaphore, #tpu.memory_space<semaphore_mem>>, %arg14: memref<!tpu.dma_semaphore, #tpu.memory_space<semaphore_mem>>, %arg15: memref<!tpu.dma_semaphore, #tpu.memory_space<semaphore_mem>>, %arg16: memref<!tpu.dma_semaphore, #tpu.memory_space<semaphore_mem>>, %arg17: memref<!tpu.dma_semaphore, #tpu.memory_space<semaphore_mem>>, %arg18: memref<!tpu.dma_semaphore, #tpu.memory_space<semaphore_mem>>, %arg19: memref<!tpu.dma_semaphore, #tpu.memory_space<semaphore_mem>>, %arg20: memref<!tpu.dma_semaphore, #tpu.memory_space<semaphore_mem>>, %arg21: memref<!tpu.dma_semaphore, #tpu.memory_space<semaphore_mem>>) attributes {dimension_semantics = [#tpu.dimension_semantics<core_parallel>, #tpu.dimension_semantics<subcore_parallel>], iteration_bounds = array<i64: 2, 16>, scalar_prefetch = 0 : i64, scratch_operands = 17 : i64, tpu.core_type = #tpu.core_type<sc_vector_subcore>, window_params = [{transform_indices = #map}, {transform_indices = #map1}, {transform_indices = #map}]} {
    %mul3A = arith.constant 2 : i32
    %mul3A_0 = arith.muli %arg1, %mul3A : i32
    %add3A = arith.addi %mul3A_0, %arg0 : i32
    %mul3A_1 = arith.constant 6400 : i32
    %mul3A_2 = arith.muli %add3A, %mul3A_1 : i32
    "tpu.region"() ({
      %run_scoped3A = tpu.sem_alloc : memref<!tpu.dma_semaphore, #tpu.memory_space<semaphore_mem>>
      %dma_start3A_163 = arith.constant 0 : i32
      %dma_start3A_164 = arith.constant 0 : i32
      %dma_start3A_165 = tpu.memref_slice %arg5[%dma_start3A_163, %dma_start3A_164] : memref<50x128xi32, #tpu.memory_space<vmem>> -> memref<8x128xi32, #tpu.memory_space<vmem>>
      %dma_start3A_166 = arith.constant 0 : i32
      %dma_start3A_167 = arith.constant 0 : i32
      %dma_start3A_168 = tpu.memref_slice %arg3[%add3A, %dma_start3A_166, %dma_start3A_167] : memref<32x50x128xi32, #tpu.memory_space<hbm>> -> memref<1x8x128xi32, #tpu.memory_space<hbm>>
      %dma_start3A_169 = tpu.memref_squeeze %dma_start3A_168 : memref<1x8x128xi32, #tpu.memory_space<hbm>> -> memref<8x128xi32, #tpu.memory_space<hbm>>
      %dma_start3A_170 = arith.constant 0 : i32
      %dma_start3A_171 = arith.constant 0 : i32
      %dma_start3A_172 = tpu.memref_slice %arg5[%dma_start3A_170, %dma_start3A_171] : memref<50x128xi32, #tpu.memory_space<vmem>> -> memref<8x128xi32, #tpu.memory_space<vmem>>
      %dma_start3A_173 = arith.constant 0 : i32
      %dma_start3A_174 = arith.constant 0 : i32
      %dma_start3A_175 = tpu.memref_slice %arg3[%add3A, %dma_start3A_173, %dma_start3A_174] : memref<32x50x128xi32, #tpu.memory_space<hbm>> -> memref<1x8x128xi32, #tpu.memory_space<hbm>>
      %dma_start3A_176 = tpu.memref_squeeze %dma_start3A_175 : memref<1x8x128xi32, #tpu.memory_space<hbm>> -> memref<8x128xi32, #tpu.memory_space<hbm>>
      tpu.enqueue_dma source(%dma_start3A_176 : memref<8x128xi32, #tpu.memory_space<hbm>>) target(%dma_start3A_172 : memref<8x128xi32, #tpu.memory_space<vmem>>) target_semaphore(%run_scoped3A : memref<!tpu.dma_semaphore, #tpu.memory_space<semaphore_mem>>)
      %dma_wait3A_177 = arith.constant 0 : i32
      %dma_wait3A_178 = arith.constant 0 : i32
      %dma_wait3A_179 = tpu.memref_slice %arg5[%dma_wait3A_177, %dma_wait3A_178] : memref<50x128xi32, #tpu.memory_space<vmem>> -> memref<8x128xi32, #tpu.memory_space<vmem>>
      %dma_wait3A_180 = arith.constant 0 : i32
      %dma_wait3A_181 = arith.constant 0 : i32
      %dma_wait3A_182 = tpu.memref_slice %arg3[%add3A, %dma_wait3A_180, %dma_wait3A_181] : memref<32x50x128xi32, #tpu.memory_space<hbm>> -> memref<1x8x128xi32, #tpu.memory_space<hbm>>
      %dma_wait3A_183 = tpu.memref_squeeze %dma_wait3A_182 : memref<1x8x128xi32, #tpu.memory_space<hbm>> -> memref<8x128xi32, #tpu.memory_space<hbm>>
      %dma_wait3A_184 = arith.constant 0 : i32
      %dma_wait3A_185 = arith.constant 0 : i32
      %dma_wait3A_186 = tpu.memref_slice %arg5[%dma_wait3A_184, %dma_wait3A_185] : memref<50x128xi32, #tpu.memory_space<vmem>> -> memref<8x128xi32, #tpu.memory_space<vmem>>
      %dma_wait3A_187 = arith.constant 0 : i32
      %dma_wait3A_188 = arith.constant 0 : i32
      %dma_wait3A_189 = tpu.memref_slice %arg3[%add3A, %dma_wait3A_187, %dma_wait3A_188] : memref<32x50x128xi32, #tpu.memory_space<hbm>> -> memref<1x8x128xi32, #tpu.memory_space<hbm>>
      %dma_wait3A_190 = tpu.memref_squeeze %dma_wait3A_189 : memref<1x8x128xi32, #tpu.memory_space<hbm>> -> memref<8x128xi32, #tpu.memory_space<hbm>>
      tpu.wait_dma2 semaphore(%run_scoped3A : memref<!tpu.dma_semaphore, #tpu.memory_space<semaphore_mem>>) src(%dma_wait3A_190 : memref<8x128xi32, #tpu.memory_space<hbm>>) dst(%dma_wait3A_186 : memref<8x128xi32, #tpu.memory_space<vmem>>)
      tpu.yield
    }) : () -> ()
    %dma_start3A = arith.constant 8 : i32
    %dma_start3A_3 = arith.constant 0 : i32
    %dma_start3A_4 = tpu.memref_slice %arg5[%dma_start3A, %dma_start3A_3] : memref<50x128xi32, #tpu.memory_space<vmem>> -> memref<42x128xi32, #tpu.memory_space<vmem>>
    %dma_start3A_5 = arith.constant 8 : i32
    %dma_start3A_6 = arith.constant 0 : i32
    %dma_start3A_7 = tpu.memref_slice %arg3[%add3A, %dma_start3A_5, %dma_start3A_6] : memref<32x50x128xi32, #tpu.memory_space<hbm>> -> memref<1x42x128xi32, #tpu.memory_space<hbm>>
    %dma_start3A_8 = tpu.memref_squeeze %dma_start3A_7 : memref<1x42x128xi32, #tpu.memory_space<hbm>> -> memref<42x128xi32, #tpu.memory_space<hbm>>
    %dma_start3A_9 = arith.constant 8 : i32
    %dma_start3A_10 = arith.constant 0 : i32
    %dma_start3A_11 = tpu.memref_slice %arg5[%dma_start3A_9, %dma_start3A_10] : memref<50x128xi32, #tpu.memory_space<vmem>> -> memref<42x128xi32, #tpu.memory_space<vmem>>
    %dma_start3A_12 = arith.constant 8 : i32
    %dma_start3A_13 = arith.constant 0 : i32
    %dma_start3A_14 = tpu.memref_slice %arg3[%add3A, %dma_start3A_12, %dma_start3A_13] : memref<32x50x128xi32, #tpu.memory_space<hbm>> -> memref<1x42x128xi32, #tpu.memory_space<hbm>>
    %dma_start3A_15 = tpu.memref_squeeze %dma_start3A_14 : memref<1x42x128xi32, #tpu.memory_space<hbm>> -> memref<42x128xi32, #tpu.memory_space<hbm>>
    tpu.enqueue_dma source(%dma_start3A_15 : memref<42x128xi32, #tpu.memory_space<hbm>>) target(%dma_start3A_11 : memref<42x128xi32, #tpu.memory_space<vmem>>) target_semaphore(%arg21 : memref<!tpu.dma_semaphore, #tpu.memory_space<semaphore_mem>>)
    %dma_start3A_16 = arith.constant 0 : i32
    %dma_start3A_17 = arith.constant 0 : i32
    %dma_start3A_18 = tpu.memref_slice %arg5[%dma_start3A_16, %dma_start3A_17] : memref<50x128xi32, #tpu.memory_space<vmem>> -> memref<1x128xi32, #tpu.memory_space<vmem>>
    %dma_start3A_19 = tpu.memref_squeeze %dma_start3A_18 : memref<1x128xi32, #tpu.memory_space<vmem>> -> memref<128xi32, #tpu.memory_space<vmem>>
    %dma_start3A_20 = arith.constant 0 : i32
    %dma_start3A_21 = arith.constant 0 : i32
    %dma_start3A_22 = tpu.memref_slice %arg2[%dma_start3A_20, %dma_start3A_21] : memref<100000x128xf32, #tpu.memory_space<hbm>> -> memref<100000x128xf32, #tpu.memory_space<hbm>>
    tpu.enqueue_indirect_dma source(%dma_start3A_22 : memref<100000x128xf32, #tpu.memory_space<hbm>>) target(%arg6 : memref<128x128xf32, #tpu.memory_space<vmem>>) offsets(%dma_start3A_19 : memref<128xi32, #tpu.memory_space<vmem>>) semaphore(%arg11 : memref<!tpu.dma_semaphore, #tpu.memory_space<semaphore_mem>>)
    %dma_start3A_23 = arith.constant 1 : i32
    %dma_start3A_24 = arith.constant 0 : i32
    %dma_start3A_25 = tpu.memref_slice %arg5[%dma_start3A_23, %dma_start3A_24] : memref<50x128xi32, #tpu.memory_space<vmem>> -> memref<1x128xi32, #tpu.memory_space<vmem>>
    %dma_start3A_26 = tpu.memref_squeeze %dma_start3A_25 : memref<1x128xi32, #tpu.memory_space<vmem>> -> memref<128xi32, #tpu.memory_space<vmem>>
    %dma_start3A_27 = arith.constant 0 : i32
    %dma_start3A_28 = arith.constant 0 : i32
    %dma_start3A_29 = tpu.memref_slice %arg2[%dma_start3A_27, %dma_start3A_28] : memref<100000x128xf32, #tpu.memory_space<hbm>> -> memref<100000x128xf32, #tpu.memory_space<hbm>>
    tpu.enqueue_indirect_dma source(%dma_start3A_29 : memref<100000x128xf32, #tpu.memory_space<hbm>>) target(%arg7 : memref<128x128xf32, #tpu.memory_space<vmem>>) offsets(%dma_start3A_26 : memref<128xi32, #tpu.memory_space<vmem>>) semaphore(%arg12 : memref<!tpu.dma_semaphore, #tpu.memory_space<semaphore_mem>>)
    %dma_start3A_30 = arith.constant 2 : i32
    %dma_start3A_31 = arith.constant 0 : i32
    %dma_start3A_32 = tpu.memref_slice %arg5[%dma_start3A_30, %dma_start3A_31] : memref<50x128xi32, #tpu.memory_space<vmem>> -> memref<1x128xi32, #tpu.memory_space<vmem>>
    %dma_start3A_33 = tpu.memref_squeeze %dma_start3A_32 : memref<1x128xi32, #tpu.memory_space<vmem>> -> memref<128xi32, #tpu.memory_space<vmem>>
    %dma_start3A_34 = arith.constant 0 : i32
    %dma_start3A_35 = arith.constant 0 : i32
    %dma_start3A_36 = tpu.memref_slice %arg2[%dma_start3A_34, %dma_start3A_35] : memref<100000x128xf32, #tpu.memory_space<hbm>> -> memref<100000x128xf32, #tpu.memory_space<hbm>>
    tpu.enqueue_indirect_dma source(%dma_start3A_36 : memref<100000x128xf32, #tpu.memory_space<hbm>>) target(%arg8 : memref<128x128xf32, #tpu.memory_space<vmem>>) offsets(%dma_start3A_33 : memref<128xi32, #tpu.memory_space<vmem>>) semaphore(%arg13 : memref<!tpu.dma_semaphore, #tpu.memory_space<semaphore_mem>>)
    %dma_start3A_37 = arith.constant 3 : i32
    %dma_start3A_38 = arith.constant 0 : i32
    %dma_start3A_39 = tpu.memref_slice %arg5[%dma_start3A_37, %dma_start3A_38] : memref<50x128xi32, #tpu.memory_space<vmem>> -> memref<1x128xi32, #tpu.memory_space<vmem>>
    %dma_start3A_40 = tpu.memref_squeeze %dma_start3A_39 : memref<1x128xi32, #tpu.memory_space<vmem>> -> memref<128xi32, #tpu.memory_space<vmem>>
    %dma_start3A_41 = arith.constant 0 : i32
    %dma_start3A_42 = arith.constant 0 : i32
    %dma_start3A_43 = tpu.memref_slice %arg2[%dma_start3A_41, %dma_start3A_42] : memref<100000x128xf32, #tpu.memory_space<hbm>> -> memref<100000x128xf32, #tpu.memory_space<hbm>>
    tpu.enqueue_indirect_dma source(%dma_start3A_43 : memref<100000x128xf32, #tpu.memory_space<hbm>>) target(%arg9 : memref<128x128xf32, #tpu.memory_space<vmem>>) offsets(%dma_start3A_40 : memref<128xi32, #tpu.memory_space<vmem>>) semaphore(%arg14 : memref<!tpu.dma_semaphore, #tpu.memory_space<semaphore_mem>>)
    %dma_wait3A = arith.constant 0 : i32
    %dma_wait3A_44 = arith.constant 0 : i32
    %dma_wait3A_45 = tpu.memref_slice %arg5[%dma_wait3A, %dma_wait3A_44] : memref<50x128xi32, #tpu.memory_space<vmem>> -> memref<1x128xi32, #tpu.memory_space<vmem>>
    %dma_wait3A_46 = tpu.memref_squeeze %dma_wait3A_45 : memref<1x128xi32, #tpu.memory_space<vmem>> -> memref<128xi32, #tpu.memory_space<vmem>>
    %dma_wait3A_47 = arith.constant 0 : i32
    %dma_wait3A_48 = arith.constant 0 : i32
    %dma_wait3A_49 = tpu.memref_slice %arg2[%dma_wait3A_47, %dma_wait3A_48] : memref<100000x128xf32, #tpu.memory_space<hbm>> -> memref<100000x128xf32, #tpu.memory_space<hbm>>
    tpu.wait_indirect_dma semaphore(%arg11 : memref<!tpu.dma_semaphore, #tpu.memory_space<semaphore_mem>>) src(%dma_wait3A_49 : memref<100000x128xf32, #tpu.memory_space<hbm>>) dst(%arg6 : memref<128x128xf32, #tpu.memory_space<vmem>>)
    %add3A_50 = arith.constant 0 : i32
    %add3A_51 = arith.addi %mul3A_2, %add3A_50 : i32
    %dma_start3A_52 = arith.constant 0 : i32
    %dma_start3A_53 = tpu.memref_slice %arg4[%add3A_51, %dma_start3A_52] : memref<204800x128xf32, #tpu.memory_space<hbm>> -> memref<128x128xf32, #tpu.memory_space<hbm>>
    %dma_start3A_54 = arith.constant 0 : i32
    %dma_start3A_55 = tpu.memref_slice %arg4[%add3A_51, %dma_start3A_54] : memref<204800x128xf32, #tpu.memory_space<hbm>> -> memref<128x128xf32, #tpu.memory_space<hbm>>
    tpu.enqueue_dma source(%arg6 : memref<128x128xf32, #tpu.memory_space<vmem>>) target(%dma_start3A_55 : memref<128x128xf32, #tpu.memory_space<hbm>>) target_semaphore(%arg16 : memref<!tpu.dma_semaphore, #tpu.memory_space<semaphore_mem>>)
    %dma_start3A_56 = arith.constant 4 : i32
    %dma_start3A_57 = arith.constant 0 : i32
    %dma_start3A_58 = tpu.memref_slice %arg5[%dma_start3A_56, %dma_start3A_57] : memref<50x128xi32, #tpu.memory_space<vmem>> -> memref<1x128xi32, #tpu.memory_space<vmem>>
    %dma_start3A_59 = tpu.memref_squeeze %dma_start3A_58 : memref<1x128xi32, #tpu.memory_space<vmem>> -> memref<128xi32, #tpu.memory_space<vmem>>
    %dma_start3A_60 = arith.constant 0 : i32
    %dma_start3A_61 = arith.constant 0 : i32
    %dma_start3A_62 = tpu.memref_slice %arg2[%dma_start3A_60, %dma_start3A_61] : memref<100000x128xf32, #tpu.memory_space<hbm>> -> memref<100000x128xf32, #tpu.memory_space<hbm>>
    tpu.enqueue_indirect_dma source(%dma_start3A_62 : memref<100000x128xf32, #tpu.memory_space<hbm>>) target(%arg10 : memref<128x128xf32, #tpu.memory_space<vmem>>) offsets(%dma_start3A_59 : memref<128xi32, #tpu.memory_space<vmem>>) semaphore(%arg15 : memref<!tpu.dma_semaphore, #tpu.memory_space<semaphore_mem>>)
    %dma_wait3A_63 = arith.constant 1 : i32
    %dma_wait3A_64 = arith.constant 0 : i32
    %dma_wait3A_65 = tpu.memref_slice %arg5[%dma_wait3A_63, %dma_wait3A_64] : memref<50x128xi32, #tpu.memory_space<vmem>> -> memref<1x128xi32, #tpu.memory_space<vmem>>
    %dma_wait3A_66 = tpu.memref_squeeze %dma_wait3A_65 : memref<1x128xi32, #tpu.memory_space<vmem>> -> memref<128xi32, #tpu.memory_space<vmem>>
    %dma_wait3A_67 = arith.constant 0 : i32
    %dma_wait3A_68 = arith.constant 0 : i32
    %dma_wait3A_69 = tpu.memref_slice %arg2[%dma_wait3A_67, %dma_wait3A_68] : memref<100000x128xf32, #tpu.memory_space<hbm>> -> memref<100000x128xf32, #tpu.memory_space<hbm>>
    tpu.wait_indirect_dma semaphore(%arg12 : memref<!tpu.dma_semaphore, #tpu.memory_space<semaphore_mem>>) src(%dma_wait3A_69 : memref<100000x128xf32, #tpu.memory_space<hbm>>) dst(%arg7 : memref<128x128xf32, #tpu.memory_space<vmem>>)
    %add3A_70 = arith.constant 128 : i32
    %add3A_71 = arith.addi %mul3A_2, %add3A_70 : i32
    %dma_start3A_72 = arith.constant 0 : i32
    %dma_start3A_73 = tpu.memref_slice %arg4[%add3A_71, %dma_start3A_72] : memref<204800x128xf32, #tpu.memory_space<hbm>> -> memref<128x128xf32, #tpu.memory_space<hbm>>
    %dma_start3A_74 = arith.constant 0 : i32
    %dma_start3A_75 = tpu.memref_slice %arg4[%add3A_71, %dma_start3A_74] : memref<204800x128xf32, #tpu.memory_space<hbm>> -> memref<128x128xf32, #tpu.memory_space<hbm>>
    tpu.enqueue_dma source(%arg7 : memref<128x128xf32, #tpu.memory_space<vmem>>) target(%dma_start3A_75 : memref<128x128xf32, #tpu.memory_space<hbm>>) target_semaphore(%arg17 : memref<!tpu.dma_semaphore, #tpu.memory_space<semaphore_mem>>)
    %dma_wait3A_76 = arith.constant 8 : i32
    %dma_wait3A_77 = arith.constant 0 : i32
    %dma_wait3A_78 = tpu.memref_slice %arg5[%dma_wait3A_76, %dma_wait3A_77] : memref<50x128xi32, #tpu.memory_space<vmem>> -> memref<42x128xi32, #tpu.memory_space<vmem>>
    %dma_wait3A_79 = arith.constant 8 : i32
    %dma_wait3A_80 = arith.constant 0 : i32
    %dma_wait3A_81 = tpu.memref_slice %arg3[%add3A, %dma_wait3A_79, %dma_wait3A_80] : memref<32x50x128xi32, #tpu.memory_space<hbm>> -> memref<1x42x128xi32, #tpu.memory_space<hbm>>
    %dma_wait3A_82 = tpu.memref_squeeze %dma_wait3A_81 : memref<1x42x128xi32, #tpu.memory_space<hbm>> -> memref<42x128xi32, #tpu.memory_space<hbm>>
    %dma_wait3A_83 = arith.constant 8 : i32
    %dma_wait3A_84 = arith.constant 0 : i32
    %dma_wait3A_85 = tpu.memref_slice %arg5[%dma_wait3A_83, %dma_wait3A_84] : memref<50x128xi32, #tpu.memory_space<vmem>> -> memref<42x128xi32, #tpu.memory_space<vmem>>
    %dma_wait3A_86 = arith.constant 8 : i32
    %dma_wait3A_87 = arith.constant 0 : i32
    %dma_wait3A_88 = tpu.memref_slice %arg3[%add3A, %dma_wait3A_86, %dma_wait3A_87] : memref<32x50x128xi32, #tpu.memory_space<hbm>> -> memref<1x42x128xi32, #tpu.memory_space<hbm>>
    %dma_wait3A_89 = tpu.memref_squeeze %dma_wait3A_88 : memref<1x42x128xi32, #tpu.memory_space<hbm>> -> memref<42x128xi32, #tpu.memory_space<hbm>>
    tpu.wait_dma2 semaphore(%arg21 : memref<!tpu.dma_semaphore, #tpu.memory_space<semaphore_mem>>) src(%dma_wait3A_89 : memref<42x128xi32, #tpu.memory_space<hbm>>) dst(%dma_wait3A_85 : memref<42x128xi32, #tpu.memory_space<vmem>>)
    %scan3A = arith.constant 0 : i32
    %scan3A_90 = arith.constant 9 : i32
    %scan3A_91 = arith.addi %scan3A, %scan3A_90 : i32
    %scan3A_92 = arith.constant 1 : i32
    scf.for %scan3A_163 = %scan3A to %scan3A_91 step %scan3A_92  : i32 {
      %mul3A_164 = arith.constant 1 : i32
      %mul3A_165 = arith.muli %scan3A_163, %mul3A_164 : i32
      %add3A_166 = arith.constant 1 : i32
      %add3A_167 = arith.addi %add3A_166, %mul3A_165 : i32
      %mul3A_168 = arith.constant 5 : i32
      %mul3A_169 = arith.muli %add3A_167, %mul3A_168 : i32
      %add3A_170 = arith.constant 0 : i32
      %add3A_171 = arith.addi %mul3A_169, %add3A_170 : i32
      %sub3A = arith.constant 5 : i32
      %sub3A_172 = arith.subi %add3A_171, %sub3A : i32
      %mul3A_173 = arith.constant 128 : i32
      %mul3A_174 = arith.muli %sub3A_172, %mul3A_173 : i32
      %add3A_175 = arith.addi %mul3A_2, %mul3A_174 : i32
      %dma_wait3A_176 = arith.constant 0 : i32
      %dma_wait3A_177 = tpu.memref_slice %arg4[%add3A_175, %dma_wait3A_176] : memref<204800x128xf32, #tpu.memory_space<hbm>> -> memref<128x128xf32, #tpu.memory_space<hbm>>
      %dma_wait3A_178 = arith.constant 0 : i32
      %dma_wait3A_179 = tpu.memref_slice %arg4[%add3A_175, %dma_wait3A_178] : memref<204800x128xf32, #tpu.memory_space<hbm>> -> memref<128x128xf32, #tpu.memory_space<hbm>>
      tpu.wait_dma2 semaphore(%arg16 : memref<!tpu.dma_semaphore, #tpu.memory_space<semaphore_mem>>) src(%arg6 : memref<128x128xf32, #tpu.memory_space<vmem>>) dst(%dma_wait3A_179 : memref<128x128xf32, #tpu.memory_space<hbm>>)
      %dma_start3A_180 = arith.constant 0 : i32
      %dma_start3A_181 = tpu.memref_slice %arg5[%add3A_171, %dma_start3A_180] : memref<50x128xi32, #tpu.memory_space<vmem>> -> memref<1x128xi32, #tpu.memory_space<vmem>>
      %dma_start3A_182 = tpu.memref_squeeze %dma_start3A_181 : memref<1x128xi32, #tpu.memory_space<vmem>> -> memref<128xi32, #tpu.memory_space<vmem>>
      %dma_start3A_183 = arith.constant 0 : i32
      %dma_start3A_184 = arith.constant 0 : i32
      %dma_start3A_185 = tpu.memref_slice %arg2[%dma_start3A_183, %dma_start3A_184] : memref<100000x128xf32, #tpu.memory_space<hbm>> -> memref<100000x128xf32, #tpu.memory_space<hbm>>
      tpu.enqueue_indirect_dma source(%dma_start3A_185 : memref<100000x128xf32, #tpu.memory_space<hbm>>) target(%arg6 : memref<128x128xf32, #tpu.memory_space<vmem>>) offsets(%dma_start3A_182 : memref<128xi32, #tpu.memory_space<vmem>>) semaphore(%arg11 : memref<!tpu.dma_semaphore, #tpu.memory_space<semaphore_mem>>)
      %sub3A_186 = arith.constant 3 : i32
      %sub3A_187 = arith.subi %add3A_171, %sub3A_186 : i32
      %dma_wait3A_188 = arith.constant 0 : i32
      %dma_wait3A_189 = tpu.memref_slice %arg5[%sub3A_187, %dma_wait3A_188] : memref<50x128xi32, #tpu.memory_space<vmem>> -> memref<1x128xi32, #tpu.memory_space<vmem>>
      %dma_wait3A_190 = tpu.memref_squeeze %dma_wait3A_189 : memref<1x128xi32, #tpu.memory_space<vmem>> -> memref<128xi32, #tpu.memory_space<vmem>>
      %dma_wait3A_191 = arith.constant 0 : i32
      %dma_wait3A_192 = arith.constant 0 : i32
      %dma_wait3A_193 = tpu.memref_slice %arg2[%dma_wait3A_191, %dma_wait3A_192] : memref<100000x128xf32, #tpu.memory_space<hbm>> -> memref<100000x128xf32, #tpu.memory_space<hbm>>
      tpu.wait_indirect_dma semaphore(%arg13 : memref<!tpu.dma_semaphore, #tpu.memory_space<semaphore_mem>>) src(%dma_wait3A_193 : memref<100000x128xf32, #tpu.memory_space<hbm>>) dst(%arg8 : memref<128x128xf32, #tpu.memory_space<vmem>>)
      %sub3A_194 = arith.constant 3 : i32
      %sub3A_195 = arith.subi %add3A_171, %sub3A_194 : i32
      %mul3A_196 = arith.constant 128 : i32
      %mul3A_197 = arith.muli %sub3A_195, %mul3A_196 : i32
      %add3A_198 = arith.addi %mul3A_2, %mul3A_197 : i32
      %dma_start3A_199 = arith.constant 0 : i32
      %dma_start3A_200 = tpu.memref_slice %arg4[%add3A_198, %dma_start3A_199] : memref<204800x128xf32, #tpu.memory_space<hbm>> -> memref<128x128xf32, #tpu.memory_space<hbm>>
      %dma_start3A_201 = arith.constant 0 : i32
      %dma_start3A_202 = tpu.memref_slice %arg4[%add3A_198, %dma_start3A_201] : memref<204800x128xf32, #tpu.memory_space<hbm>> -> memref<128x128xf32, #tpu.memory_space<hbm>>
      tpu.enqueue_dma source(%arg8 : memref<128x128xf32, #tpu.memory_space<vmem>>) target(%dma_start3A_202 : memref<128x128xf32, #tpu.memory_space<hbm>>) target_semaphore(%arg18 : memref<!tpu.dma_semaphore, #tpu.memory_space<semaphore_mem>>)
      %add3A_203 = arith.constant 1 : i32
      %add3A_204 = arith.addi %mul3A_169, %add3A_203 : i32
      %sub3A_205 = arith.constant 5 : i32
      %sub3A_206 = arith.subi %add3A_204, %sub3A_205 : i32
      %mul3A_207 = arith.constant 128 : i32
      %mul3A_208 = arith.muli %sub3A_206, %mul3A_207 : i32
      %add3A_209 = arith.addi %mul3A_2, %mul3A_208 : i32
      %dma_wait3A_210 = arith.constant 0 : i32
      %dma_wait3A_211 = tpu.memref_slice %arg4[%add3A_209, %dma_wait3A_210] : memref<204800x128xf32, #tpu.memory_space<hbm>> -> memref<128x128xf32, #tpu.memory_space<hbm>>
      %dma_wait3A_212 = arith.constant 0 : i32
      %dma_wait3A_213 = tpu.memref_slice %arg4[%add3A_209, %dma_wait3A_212] : memref<204800x128xf32, #tpu.memory_space<hbm>> -> memref<128x128xf32, #tpu.memory_space<hbm>>
      tpu.wait_dma2 semaphore(%arg17 : memref<!tpu.dma_semaphore, #tpu.memory_space<semaphore_mem>>) src(%arg7 : memref<128x128xf32, #tpu.memory_space<vmem>>) dst(%dma_wait3A_213 : memref<128x128xf32, #tpu.memory_space<hbm>>)
      %dma_start3A_214 = arith.constant 0 : i32
      %dma_start3A_215 = tpu.memref_slice %arg5[%add3A_204, %dma_start3A_214] : memref<50x128xi32, #tpu.memory_space<vmem>> -> memref<1x128xi32, #tpu.memory_space<vmem>>
      %dma_start3A_216 = tpu.memref_squeeze %dma_start3A_215 : memref<1x128xi32, #tpu.memory_space<vmem>> -> memref<128xi32, #tpu.memory_space<vmem>>
      %dma_start3A_217 = arith.constant 0 : i32
      %dma_start3A_218 = arith.constant 0 : i32
      %dma_start3A_219 = tpu.memref_slice %arg2[%dma_start3A_217, %dma_start3A_218] : memref<100000x128xf32, #tpu.memory_space<hbm>> -> memref<100000x128xf32, #tpu.memory_space<hbm>>
      tpu.enqueue_indirect_dma source(%dma_start3A_219 : memref<100000x128xf32, #tpu.memory_space<hbm>>) target(%arg7 : memref<128x128xf32, #tpu.memory_space<vmem>>) offsets(%dma_start3A_216 : memref<128xi32, #tpu.memory_space<vmem>>) semaphore(%arg12 : memref<!tpu.dma_semaphore, #tpu.memory_space<semaphore_mem>>)
      %sub3A_220 = arith.constant 3 : i32
      %sub3A_221 = arith.subi %add3A_204, %sub3A_220 : i32
      %dma_wait3A_222 = arith.constant 0 : i32
      %dma_wait3A_223 = tpu.memref_slice %arg5[%sub3A_221, %dma_wait3A_222] : memref<50x128xi32, #tpu.memory_space<vmem>> -> memref<1x128xi32, #tpu.memory_space<vmem>>
      %dma_wait3A_224 = tpu.memref_squeeze %dma_wait3A_223 : memref<1x128xi32, #tpu.memory_space<vmem>> -> memref<128xi32, #tpu.memory_space<vmem>>
      %dma_wait3A_225 = arith.constant 0 : i32
      %dma_wait3A_226 = arith.constant 0 : i32
      %dma_wait3A_227 = tpu.memref_slice %arg2[%dma_wait3A_225, %dma_wait3A_226] : memref<100000x128xf32, #tpu.memory_space<hbm>> -> memref<100000x128xf32, #tpu.memory_space<hbm>>
      tpu.wait_indirect_dma semaphore(%arg14 : memref<!tpu.dma_semaphore, #tpu.memory_space<semaphore_mem>>) src(%dma_wait3A_227 : memref<100000x128xf32, #tpu.memory_space<hbm>>) dst(%arg9 : memref<128x128xf32, #tpu.memory_space<vmem>>)
      %sub3A_228 = arith.constant 3 : i32
      %sub3A_229 = arith.subi %add3A_204, %sub3A_228 : i32
      %mul3A_230 = arith.constant 128 : i32
      %mul3A_231 = arith.muli %sub3A_229, %mul3A_230 : i32
      %add3A_232 = arith.addi %mul3A_2, %mul3A_231 : i32
      %dma_start3A_233 = arith.constant 0 : i32
      %dma_start3A_234 = tpu.memref_slice %arg4[%add3A_232, %dma_start3A_233] : memref<204800x128xf32, #tpu.memory_space<hbm>> -> memref<128x128xf32, #tpu.memory_space<hbm>>
      %dma_start3A_235 = arith.constant 0 : i32
      %dma_start3A_236 = tpu.memref_slice %arg4[%add3A_232, %dma_start3A_235] : memref<204800x128xf32, #tpu.memory_space<hbm>> -> memref<128x128xf32, #tpu.memory_space<hbm>>
      tpu.enqueue_dma source(%arg9 : memref<128x128xf32, #tpu.memory_space<vmem>>) target(%dma_start3A_236 : memref<128x128xf32, #tpu.memory_space<hbm>>) target_semaphore(%arg19 : memref<!tpu.dma_semaphore, #tpu.memory_space<semaphore_mem>>)
      %add3A_237 = arith.constant 2 : i32
      %add3A_238 = arith.addi %mul3A_169, %add3A_237 : i32
      %sub3A_239 = arith.constant 5 : i32
      %sub3A_240 = arith.subi %add3A_238, %sub3A_239 : i32
      %mul3A_241 = arith.constant 128 : i32
      %mul3A_242 = arith.muli %sub3A_240, %mul3A_241 : i32
      %add3A_243 = arith.addi %mul3A_2, %mul3A_242 : i32
      %dma_wait3A_244 = arith.constant 0 : i32
      %dma_wait3A_245 = tpu.memref_slice %arg4[%add3A_243, %dma_wait3A_244] : memref<204800x128xf32, #tpu.memory_space<hbm>> -> memref<128x128xf32, #tpu.memory_space<hbm>>
      %dma_wait3A_246 = arith.constant 0 : i32
      %dma_wait3A_247 = tpu.memref_slice %arg4[%add3A_243, %dma_wait3A_246] : memref<204800x128xf32, #tpu.memory_space<hbm>> -> memref<128x128xf32, #tpu.memory_space<hbm>>
      tpu.wait_dma2 semaphore(%arg18 : memref<!tpu.dma_semaphore, #tpu.memory_space<semaphore_mem>>) src(%arg8 : memref<128x128xf32, #tpu.memory_space<vmem>>) dst(%dma_wait3A_247 : memref<128x128xf32, #tpu.memory_space<hbm>>)
      %dma_start3A_248 = arith.constant 0 : i32
      %dma_start3A_249 = tpu.memref_slice %arg5[%add3A_238, %dma_start3A_248] : memref<50x128xi32, #tpu.memory_space<vmem>> -> memref<1x128xi32, #tpu.memory_space<vmem>>
      %dma_start3A_250 = tpu.memref_squeeze %dma_start3A_249 : memref<1x128xi32, #tpu.memory_space<vmem>> -> memref<128xi32, #tpu.memory_space<vmem>>
      %dma_start3A_251 = arith.constant 0 : i32
      %dma_start3A_252 = arith.constant 0 : i32
      %dma_start3A_253 = tpu.memref_slice %arg2[%dma_start3A_251, %dma_start3A_252] : memref<100000x128xf32, #tpu.memory_space<hbm>> -> memref<100000x128xf32, #tpu.memory_space<hbm>>
      tpu.enqueue_indirect_dma source(%dma_start3A_253 : memref<100000x128xf32, #tpu.memory_space<hbm>>) target(%arg8 : memref<128x128xf32, #tpu.memory_space<vmem>>) offsets(%dma_start3A_250 : memref<128xi32, #tpu.memory_space<vmem>>) semaphore(%arg13 : memref<!tpu.dma_semaphore, #tpu.memory_space<semaphore_mem>>)
      %sub3A_254 = arith.constant 3 : i32
      %sub3A_255 = arith.subi %add3A_238, %sub3A_254 : i32
      %dma_wait3A_256 = arith.constant 0 : i32
      %dma_wait3A_257 = tpu.memref_slice %arg5[%sub3A_255, %dma_wait3A_256] : memref<50x128xi32, #tpu.memory_space<vmem>> -> memref<1x128xi32, #tpu.memory_space<vmem>>
      %dma_wait3A_258 = tpu.memref_squeeze %dma_wait3A_257 : memref<1x128xi32, #tpu.memory_space<vmem>> -> memref<128xi32, #tpu.memory_space<vmem>>
      %dma_wait3A_259 = arith.constant 0 : i32
      %dma_wait3A_260 = arith.constant 0 : i32
      %dma_wait3A_261 = tpu.memref_slice %arg2[%dma_wait3A_259, %dma_wait3A_260] : memref<100000x128xf32, #tpu.memory_space<hbm>> -> memref<100000x128xf32, #tpu.memory_space<hbm>>
      tpu.wait_indirect_dma semaphore(%arg15 : memref<!tpu.dma_semaphore, #tpu.memory_space<semaphore_mem>>) src(%dma_wait3A_261 : memref<100000x128xf32, #tpu.memory_space<hbm>>) dst(%arg10 : memref<128x128xf32, #tpu.memory_space<vmem>>)
      %sub3A_262 = arith.constant 3 : i32
      %sub3A_263 = arith.subi %add3A_238, %sub3A_262 : i32
      %mul3A_264 = arith.constant 128 : i32
      %mul3A_265 = arith.muli %sub3A_263, %mul3A_264 : i32
      %add3A_266 = arith.addi %mul3A_2, %mul3A_265 : i32
      %dma_start3A_267 = arith.constant 0 : i32
      %dma_start3A_268 = tpu.memref_slice %arg4[%add3A_266, %dma_start3A_267] : memref<204800x128xf32, #tpu.memory_space<hbm>> -> memref<128x128xf32, #tpu.memory_space<hbm>>
      %dma_start3A_269 = arith.constant 0 : i32
      %dma_start3A_270 = tpu.memref_slice %arg4[%add3A_266, %dma_start3A_269] : memref<204800x128xf32, #tpu.memory_space<hbm>> -> memref<128x128xf32, #tpu.memory_space<hbm>>
      tpu.enqueue_dma source(%arg10 : memref<128x128xf32, #tpu.memory_space<vmem>>) target(%dma_start3A_270 : memref<128x128xf32, #tpu.memory_space<hbm>>) target_semaphore(%arg20 : memref<!tpu.dma_semaphore, #tpu.memory_space<semaphore_mem>>)
      %add3A_271 = arith.constant 3 : i32
      %add3A_272 = arith.addi %mul3A_169, %add3A_271 : i32
      %sub3A_273 = arith.constant 5 : i32
      %sub3A_274 = arith.subi %add3A_272, %sub3A_273 : i32
      %mul3A_275 = arith.constant 128 : i32
      %mul3A_276 = arith.muli %sub3A_274, %mul3A_275 : i32
      %add3A_277 = arith.addi %mul3A_2, %mul3A_276 : i32
      %dma_wait3A_278 = arith.constant 0 : i32
      %dma_wait3A_279 = tpu.memref_slice %arg4[%add3A_277, %dma_wait3A_278] : memref<204800x128xf32, #tpu.memory_space<hbm>> -> memref<128x128xf32, #tpu.memory_space<hbm>>
      %dma_wait3A_280 = arith.constant 0 : i32
      %dma_wait3A_281 = tpu.memref_slice %arg4[%add3A_277, %dma_wait3A_280] : memref<204800x128xf32, #tpu.memory_space<hbm>> -> memref<128x128xf32, #tpu.memory_space<hbm>>
      tpu.wait_dma2 semaphore(%arg19 : memref<!tpu.dma_semaphore, #tpu.memory_space<semaphore_mem>>) src(%arg9 : memref<128x128xf32, #tpu.memory_space<vmem>>) dst(%dma_wait3A_281 : memref<128x128xf32, #tpu.memory_space<hbm>>)
      %dma_start3A_282 = arith.constant 0 : i32
      %dma_start3A_283 = tpu.memref_slice %arg5[%add3A_272, %dma_start3A_282] : memref<50x128xi32, #tpu.memory_space<vmem>> -> memref<1x128xi32, #tpu.memory_space<vmem>>
      %dma_start3A_284 = tpu.memref_squeeze %dma_start3A_283 : memref<1x128xi32, #tpu.memory_space<vmem>> -> memref<128xi32, #tpu.memory_space<vmem>>
      %dma_start3A_285 = arith.constant 0 : i32
      %dma_start3A_286 = arith.constant 0 : i32
      %dma_start3A_287 = tpu.memref_slice %arg2[%dma_start3A_285, %dma_start3A_286] : memref<100000x128xf32, #tpu.memory_space<hbm>> -> memref<100000x128xf32, #tpu.memory_space<hbm>>
      tpu.enqueue_indirect_dma source(%dma_start3A_287 : memref<100000x128xf32, #tpu.memory_space<hbm>>) target(%arg9 : memref<128x128xf32, #tpu.memory_space<vmem>>) offsets(%dma_start3A_284 : memref<128xi32, #tpu.memory_space<vmem>>) semaphore(%arg14 : memref<!tpu.dma_semaphore, #tpu.memory_space<semaphore_mem>>)
      %sub3A_288 = arith.constant 3 : i32
      %sub3A_289 = arith.subi %add3A_272, %sub3A_288 : i32
      %dma_wait3A_290 = arith.constant 0 : i32
      %dma_wait3A_291 = tpu.memref_slice %arg5[%sub3A_289, %dma_wait3A_290] : memref<50x128xi32, #tpu.memory_space<vmem>> -> memref<1x128xi32, #tpu.memory_space<vmem>>
      %dma_wait3A_292 = tpu.memref_squeeze %dma_wait3A_291 : memref<1x128xi32, #tpu.memory_space<vmem>> -> memref<128xi32, #tpu.memory_space<vmem>>
      %dma_wait3A_293 = arith.constant 0 : i32
      %dma_wait3A_294 = arith.constant 0 : i32
      %dma_wait3A_295 = tpu.memref_slice %arg2[%dma_wait3A_293, %dma_wait3A_294] : memref<100000x128xf32, #tpu.memory_space<hbm>> -> memref<100000x128xf32, #tpu.memory_space<hbm>>
      tpu.wait_indirect_dma semaphore(%arg11 : memref<!tpu.dma_semaphore, #tpu.memory_space<semaphore_mem>>) src(%dma_wait3A_295 : memref<100000x128xf32, #tpu.memory_space<hbm>>) dst(%arg6 : memref<128x128xf32, #tpu.memory_space<vmem>>)
      %sub3A_296 = arith.constant 3 : i32
      %sub3A_297 = arith.subi %add3A_272, %sub3A_296 : i32
      %mul3A_298 = arith.constant 128 : i32
      %mul3A_299 = arith.muli %sub3A_297, %mul3A_298 : i32
      %add3A_300 = arith.addi %mul3A_2, %mul3A_299 : i32
      %dma_start3A_301 = arith.constant 0 : i32
      %dma_start3A_302 = tpu.memref_slice %arg4[%add3A_300, %dma_start3A_301] : memref<204800x128xf32, #tpu.memory_space<hbm>> -> memref<128x128xf32, #tpu.memory_space<hbm>>
      %dma_start3A_303 = arith.constant 0 : i32
      %dma_start3A_304 = tpu.memref_slice %arg4[%add3A_300, %dma_start3A_303] : memref<204800x128xf32, #tpu.memory_space<hbm>> -> memref<128x128xf32, #tpu.memory_space<hbm>>
      tpu.enqueue_dma source(%arg6 : memref<128x128xf32, #tpu.memory_space<vmem>>) target(%dma_start3A_304 : memref<128x128xf32, #tpu.memory_space<hbm>>) target_semaphore(%arg16 : memref<!tpu.dma_semaphore, #tpu.memory_space<semaphore_mem>>)
      %add3A_305 = arith.constant 4 : i32
      %add3A_306 = arith.addi %mul3A_169, %add3A_305 : i32
      %sub3A_307 = arith.constant 5 : i32
      %sub3A_308 = arith.subi %add3A_306, %sub3A_307 : i32
      %mul3A_309 = arith.constant 128 : i32
      %mul3A_310 = arith.muli %sub3A_308, %mul3A_309 : i32
      %add3A_311 = arith.addi %mul3A_2, %mul3A_310 : i32
      %dma_wait3A_312 = arith.constant 0 : i32
      %dma_wait3A_313 = tpu.memref_slice %arg4[%add3A_311, %dma_wait3A_312] : memref<204800x128xf32, #tpu.memory_space<hbm>> -> memref<128x128xf32, #tpu.memory_space<hbm>>
      %dma_wait3A_314 = arith.constant 0 : i32
      %dma_wait3A_315 = tpu.memref_slice %arg4[%add3A_311, %dma_wait3A_314] : memref<204800x128xf32, #tpu.memory_space<hbm>> -> memref<128x128xf32, #tpu.memory_space<hbm>>
      tpu.wait_dma2 semaphore(%arg20 : memref<!tpu.dma_semaphore, #tpu.memory_space<semaphore_mem>>) src(%arg10 : memref<128x128xf32, #tpu.memory_space<vmem>>) dst(%dma_wait3A_315 : memref<128x128xf32, #tpu.memory_space<hbm>>)
      %dma_start3A_316 = arith.constant 0 : i32
      %dma_start3A_317 = tpu.memref_slice %arg5[%add3A_306, %dma_start3A_316] : memref<50x128xi32, #tpu.memory_space<vmem>> -> memref<1x128xi32, #tpu.memory_space<vmem>>
      %dma_start3A_318 = tpu.memref_squeeze %dma_start3A_317 : memref<1x128xi32, #tpu.memory_space<vmem>> -> memref<128xi32, #tpu.memory_space<vmem>>
      %dma_start3A_319 = arith.constant 0 : i32
      %dma_start3A_320 = arith.constant 0 : i32
      %dma_start3A_321 = tpu.memref_slice %arg2[%dma_start3A_319, %dma_start3A_320] : memref<100000x128xf32, #tpu.memory_space<hbm>> -> memref<100000x128xf32, #tpu.memory_space<hbm>>
      tpu.enqueue_indirect_dma source(%dma_start3A_321 : memref<100000x128xf32, #tpu.memory_space<hbm>>) target(%arg10 : memref<128x128xf32, #tpu.memory_space<vmem>>) offsets(%dma_start3A_318 : memref<128xi32, #tpu.memory_space<vmem>>) semaphore(%arg15 : memref<!tpu.dma_semaphore, #tpu.memory_space<semaphore_mem>>)
      %sub3A_322 = arith.constant 3 : i32
      %sub3A_323 = arith.subi %add3A_306, %sub3A_322 : i32
      %dma_wait3A_324 = arith.constant 0 : i32
      %dma_wait3A_325 = tpu.memref_slice %arg5[%sub3A_323, %dma_wait3A_324] : memref<50x128xi32, #tpu.memory_space<vmem>> -> memref<1x128xi32, #tpu.memory_space<vmem>>
      %dma_wait3A_326 = tpu.memref_squeeze %dma_wait3A_325 : memref<1x128xi32, #tpu.memory_space<vmem>> -> memref<128xi32, #tpu.memory_space<vmem>>
      %dma_wait3A_327 = arith.constant 0 : i32
      %dma_wait3A_328 = arith.constant 0 : i32
      %dma_wait3A_329 = tpu.memref_slice %arg2[%dma_wait3A_327, %dma_wait3A_328] : memref<100000x128xf32, #tpu.memory_space<hbm>> -> memref<100000x128xf32, #tpu.memory_space<hbm>>
      tpu.wait_indirect_dma semaphore(%arg12 : memref<!tpu.dma_semaphore, #tpu.memory_space<semaphore_mem>>) src(%dma_wait3A_329 : memref<100000x128xf32, #tpu.memory_space<hbm>>) dst(%arg7 : memref<128x128xf32, #tpu.memory_space<vmem>>)
      %sub3A_330 = arith.constant 3 : i32
      %sub3A_331 = arith.subi %add3A_306, %sub3A_330 : i32
      %mul3A_332 = arith.constant 128 : i32
      %mul3A_333 = arith.muli %sub3A_331, %mul3A_332 : i32
      %add3A_334 = arith.addi %mul3A_2, %mul3A_333 : i32
      %dma_start3A_335 = arith.constant 0 : i32
      %dma_start3A_336 = tpu.memref_slice %arg4[%add3A_334, %dma_start3A_335] : memref<204800x128xf32, #tpu.memory_space<hbm>> -> memref<128x128xf32, #tpu.memory_space<hbm>>
      %dma_start3A_337 = arith.constant 0 : i32
      %dma_start3A_338 = tpu.memref_slice %arg4[%add3A_334, %dma_start3A_337] : memref<204800x128xf32, #tpu.memory_space<hbm>> -> memref<128x128xf32, #tpu.memory_space<hbm>>
      tpu.enqueue_dma source(%arg7 : memref<128x128xf32, #tpu.memory_space<vmem>>) target(%dma_start3A_338 : memref<128x128xf32, #tpu.memory_space<hbm>>) target_semaphore(%arg17 : memref<!tpu.dma_semaphore, #tpu.memory_space<semaphore_mem>>)
    }
    %scan3A_93 = arith.constant 9 : i32
    %dma_wait3A_94 = arith.constant 47 : i32
    %dma_wait3A_95 = arith.constant 0 : i32
    %dma_wait3A_96 = tpu.memref_slice %arg5[%dma_wait3A_94, %dma_wait3A_95] : memref<50x128xi32, #tpu.memory_space<vmem>> -> memref<1x128xi32, #tpu.memory_space<vmem>>
    %dma_wait3A_97 = tpu.memref_squeeze %dma_wait3A_96 : memref<1x128xi32, #tpu.memory_space<vmem>> -> memref<128xi32, #tpu.memory_space<vmem>>
    %dma_wait3A_98 = arith.constant 0 : i32
    %dma_wait3A_99 = arith.constant 0 : i32
    %dma_wait3A_100 = tpu.memref_slice %arg2[%dma_wait3A_98, %dma_wait3A_99] : memref<100000x128xf32, #tpu.memory_space<hbm>> -> memref<100000x128xf32, #tpu.memory_space<hbm>>
    tpu.wait_indirect_dma semaphore(%arg13 : memref<!tpu.dma_semaphore, #tpu.memory_space<semaphore_mem>>) src(%dma_wait3A_100 : memref<100000x128xf32, #tpu.memory_space<hbm>>) dst(%arg8 : memref<128x128xf32, #tpu.memory_space<vmem>>)
    %add3A_101 = arith.constant 6016 : i32
    %add3A_102 = arith.addi %mul3A_2, %add3A_101 : i32
    %dma_start3A_103 = arith.constant 0 : i32
    %dma_start3A_104 = tpu.memref_slice %arg4[%add3A_102, %dma_start3A_103] : memref<204800x128xf32, #tpu.memory_space<hbm>> -> memref<128x128xf32, #tpu.memory_space<hbm>>
    %dma_start3A_105 = arith.constant 0 : i32
    %dma_start3A_106 = tpu.memref_slice %arg4[%add3A_102, %dma_start3A_105] : memref<204800x128xf32, #tpu.memory_space<hbm>> -> memref<128x128xf32, #tpu.memory_space<hbm>>
    tpu.enqueue_dma source(%arg8 : memref<128x128xf32, #tpu.memory_space<vmem>>) target(%dma_start3A_106 : memref<128x128xf32, #tpu.memory_space<hbm>>) target_semaphore(%arg18 : memref<!tpu.dma_semaphore, #tpu.memory_space<semaphore_mem>>)
    %dma_wait3A_107 = arith.constant 48 : i32
    %dma_wait3A_108 = arith.constant 0 : i32
    %dma_wait3A_109 = tpu.memref_slice %arg5[%dma_wait3A_107, %dma_wait3A_108] : memref<50x128xi32, #tpu.memory_space<vmem>> -> memref<1x128xi32, #tpu.memory_space<vmem>>
    %dma_wait3A_110 = tpu.memref_squeeze %dma_wait3A_109 : memref<1x128xi32, #tpu.memory_space<vmem>> -> memref<128xi32, #tpu.memory_space<vmem>>
    %dma_wait3A_111 = arith.constant 0 : i32
    %dma_wait3A_112 = arith.constant 0 : i32
    %dma_wait3A_113 = tpu.memref_slice %arg2[%dma_wait3A_111, %dma_wait3A_112] : memref<100000x128xf32, #tpu.memory_space<hbm>> -> memref<100000x128xf32, #tpu.memory_space<hbm>>
    tpu.wait_indirect_dma semaphore(%arg14 : memref<!tpu.dma_semaphore, #tpu.memory_space<semaphore_mem>>) src(%dma_wait3A_113 : memref<100000x128xf32, #tpu.memory_space<hbm>>) dst(%arg9 : memref<128x128xf32, #tpu.memory_space<vmem>>)
    %add3A_114 = arith.constant 6144 : i32
    %add3A_115 = arith.addi %mul3A_2, %add3A_114 : i32
    %dma_start3A_116 = arith.constant 0 : i32
    %dma_start3A_117 = tpu.memref_slice %arg4[%add3A_115, %dma_start3A_116] : memref<204800x128xf32, #tpu.memory_space<hbm>> -> memref<128x128xf32, #tpu.memory_space<hbm>>
    %dma_start3A_118 = arith.constant 0 : i32
    %dma_start3A_119 = tpu.memref_slice %arg4[%add3A_115, %dma_start3A_118] : memref<204800x128xf32, #tpu.memory_space<hbm>> -> memref<128x128xf32, #tpu.memory_space<hbm>>
    tpu.enqueue_dma source(%arg9 : memref<128x128xf32, #tpu.memory_space<vmem>>) target(%dma_start3A_119 : memref<128x128xf32, #tpu.memory_space<hbm>>) target_semaphore(%arg19 : memref<!tpu.dma_semaphore, #tpu.memory_space<semaphore_mem>>)
    %dma_wait3A_120 = arith.constant 49 : i32
    %dma_wait3A_121 = arith.constant 0 : i32
    %dma_wait3A_122 = tpu.memref_slice %arg5[%dma_wait3A_120, %dma_wait3A_121] : memref<50x128xi32, #tpu.memory_space<vmem>> -> memref<1x128xi32, #tpu.memory_space<vmem>>
    %dma_wait3A_123 = tpu.memref_squeeze %dma_wait3A_122 : memref<1x128xi32, #tpu.memory_space<vmem>> -> memref<128xi32, #tpu.memory_space<vmem>>
    %dma_wait3A_124 = arith.constant 0 : i32
    %dma_wait3A_125 = arith.constant 0 : i32
    %dma_wait3A_126 = tpu.memref_slice %arg2[%dma_wait3A_124, %dma_wait3A_125] : memref<100000x128xf32, #tpu.memory_space<hbm>> -> memref<100000x128xf32, #tpu.memory_space<hbm>>
    tpu.wait_indirect_dma semaphore(%arg15 : memref<!tpu.dma_semaphore, #tpu.memory_space<semaphore_mem>>) src(%dma_wait3A_126 : memref<100000x128xf32, #tpu.memory_space<hbm>>) dst(%arg10 : memref<128x128xf32, #tpu.memory_space<vmem>>)
    %add3A_127 = arith.constant 6272 : i32
    %add3A_128 = arith.addi %mul3A_2, %add3A_127 : i32
    %dma_start3A_129 = arith.constant 0 : i32
    %dma_start3A_130 = tpu.memref_slice %arg4[%add3A_128, %dma_start3A_129] : memref<204800x128xf32, #tpu.memory_space<hbm>> -> memref<128x128xf32, #tpu.memory_space<hbm>>
    %dma_start3A_131 = arith.constant 0 : i32
    %dma_start3A_132 = tpu.memref_slice %arg4[%add3A_128, %dma_start3A_131] : memref<204800x128xf32, #tpu.memory_space<hbm>> -> memref<128x128xf32, #tpu.memory_space<hbm>>
    tpu.enqueue_dma source(%arg10 : memref<128x128xf32, #tpu.memory_space<vmem>>) target(%dma_start3A_132 : memref<128x128xf32, #tpu.memory_space<hbm>>) target_semaphore(%arg20 : memref<!tpu.dma_semaphore, #tpu.memory_space<semaphore_mem>>)
    %add3A_133 = arith.constant 5760 : i32
    %add3A_134 = arith.addi %mul3A_2, %add3A_133 : i32
    %dma_wait3A_135 = arith.constant 0 : i32
    %dma_wait3A_136 = tpu.memref_slice %arg4[%add3A_134, %dma_wait3A_135] : memref<204800x128xf32, #tpu.memory_space<hbm>> -> memref<128x128xf32, #tpu.memory_space<hbm>>
    %dma_wait3A_137 = arith.constant 0 : i32
    %dma_wait3A_138 = tpu.memref_slice %arg4[%add3A_134, %dma_wait3A_137] : memref<204800x128xf32, #tpu.memory_space<hbm>> -> memref<128x128xf32, #tpu.memory_space<hbm>>
    tpu.wait_dma2 semaphore(%arg16 : memref<!tpu.dma_semaphore, #tpu.memory_space<semaphore_mem>>) src(%arg6 : memref<128x128xf32, #tpu.memory_space<vmem>>) dst(%dma_wait3A_138 : memref<128x128xf32, #tpu.memory_space<hbm>>)
    %add3A_139 = arith.constant 5888 : i32
    %add3A_140 = arith.addi %mul3A_2, %add3A_139 : i32
    %dma_wait3A_141 = arith.constant 0 : i32
    %dma_wait3A_142 = tpu.memref_slice %arg4[%add3A_140, %dma_wait3A_141] : memref<204800x128xf32, #tpu.memory_space<hbm>> -> memref<128x128xf32, #tpu.memory_space<hbm>>
    %dma_wait3A_143 = arith.constant 0 : i32
    %dma_wait3A_144 = tpu.memref_slice %arg4[%add3A_140, %dma_wait3A_143] : memref<204800x128xf32, #tpu.memory_space<hbm>> -> memref<128x128xf32, #tpu.memory_space<hbm>>
    tpu.wait_dma2 semaphore(%arg17 : memref<!tpu.dma_semaphore, #tpu.memory_space<semaphore_mem>>) src(%arg7 : memref<128x128xf32, #tpu.memory_space<vmem>>) dst(%dma_wait3A_144 : memref<128x128xf32, #tpu.memory_space<hbm>>)
    %add3A_145 = arith.constant 6016 : i32
    %add3A_146 = arith.addi %mul3A_2, %add3A_145 : i32
    %dma_wait3A_147 = arith.constant 0 : i32
    %dma_wait3A_148 = tpu.memref_slice %arg4[%add3A_146, %dma_wait3A_147] : memref<204800x128xf32, #tpu.memory_space<hbm>> -> memref<128x128xf32, #tpu.memory_space<hbm>>
    %dma_wait3A_149 = arith.constant 0 : i32
    %dma_wait3A_150 = tpu.memref_slice %arg4[%add3A_146, %dma_wait3A_149] : memref<204800x128xf32, #tpu.memory_space<hbm>> -> memref<128x128xf32, #tpu.memory_space<hbm>>
    tpu.wait_dma2 semaphore(%arg18 : memref<!tpu.dma_semaphore, #tpu.memory_space<semaphore_mem>>) src(%arg8 : memref<128x128xf32, #tpu.memory_space<vmem>>) dst(%dma_wait3A_150 : memref<128x128xf32, #tpu.memory_space<hbm>>)
    %add3A_151 = arith.constant 6144 : i32
    %add3A_152 = arith.addi %mul3A_2, %add3A_151 : i32
    %dma_wait3A_153 = arith.constant 0 : i32
    %dma_wait3A_154 = tpu.memref_slice %arg4[%add3A_152, %dma_wait3A_153] : memref<204800x128xf32, #tpu.memory_space<hbm>> -> memref<128x128xf32, #tpu.memory_space<hbm>>
    %dma_wait3A_155 = arith.constant 0 : i32
    %dma_wait3A_156 = tpu.memref_slice %arg4[%add3A_152, %dma_wait3A_155] : memref<204800x128xf32, #tpu.memory_space<hbm>> -> memref<128x128xf32, #tpu.memory_space<hbm>>
    tpu.wait_dma2 semaphore(%arg19 : memref<!tpu.dma_semaphore, #tpu.memory_space<semaphore_mem>>) src(%arg9 : memref<128x128xf32, #tpu.memory_space<vmem>>) dst(%dma_wait3A_156 : memref<128x128xf32, #tpu.memory_space<hbm>>)
    %add3A_157 = arith.constant 6272 : i32
    %add3A_158 = arith.addi %mul3A_2, %add3A_157 : i32
    %dma_wait3A_159 = arith.constant 0 : i32
    %dma_wait3A_160 = tpu.memref_slice %arg4[%add3A_158, %dma_wait3A_159] : memref<204800x128xf32, #tpu.memory_space<hbm>> -> memref<128x128xf32, #tpu.memory_space<hbm>>
    %dma_wait3A_161 = arith.constant 0 : i32
    %dma_wait3A_162 = tpu.memref_slice %arg4[%add3A_158, %dma_wait3A_161] : memref<204800x128xf32, #tpu.memory_space<hbm>> -> memref<128x128xf32, #tpu.memory_space<hbm>>
    tpu.wait_dma2 semaphore(%arg20 : memref<!tpu.dma_semaphore, #tpu.memory_space<semaphore_mem>>) src(%arg10 : memref<128x128xf32, #tpu.memory_space<vmem>>) dst(%dma_wait3A_162 : memref<128x128xf32, #tpu.memory_space<hbm>>)
    return
  }
}

</mosaic_0001>

<sc_bundles>
// kernel: kernel.3.cloned.1.call-start
scs
__scs_entry_jumppad:
0x0: {  	(pc) =	sbr.rel $0x88, $3  }
0x1: {  	(tag) =	ssettag $0x0;
	lr =	simm.s32 $0x1  }
0x2: {  	[smem:$0x3F9F] =	sst lr;
	_ =	strace $0xD0000000  }
0x3: {  	_ = 	snop  }
0x4: {  	_ = 	snop  }
0x5: {  	_ = 	snop  }
0x6: {  	_ = 	snop  }
0x7: {  	_ = 	snop  }
__scs_overlays_trampoline_lowered:
0x8: {  	[smem:$0x3FAE] =	sst s0  }
0x9: {  	[smem:$0x3FAF] =	sst s1  }
0xa: {  	[smem:$0x3FB0] =	sst s2  }
0xb: {  	[smem:$0x3FB1] =	sst s3  }
0xc: {  	[smem:$0x3FB2] =	sst s4  }
0xd: {  	[smem:$0x3FB3] =	sst s5  }
0xe: {  	[smem:$0x3FB4] =	sst s6  }
0xf: {  	[smem:$0x3FB5] =	sst s7  }
0x10: {  	[smem:$0x3FB6] =	sst s8  }
0x11: {  	[smem:$0x3FB7] =	sst s9;
	s0 =	simm.s32 @!p0 $0x0  }
0x12: {  	s1 =	sld [smem:$0x3F9D];
	s0 =	simm.s32 @p0 $0x1  }
0x13: {  	[smem:$0x3FB8] =	sst s0;
	s0 =	simm.s32 @!p1 $0x0  }
0x14: {  	s2 =	sld [smem:$0x3F9C];
	s0 =	simm.s32 @p1 $0x1  }
0x15: {  	[smem:$0x3FB9] =	sst s0;
	s0 =	simm.s32 @!p2 $0x0  }
0x16: {  	s3 =	sld [smem:$0x3FDB];
	s0 =	simm.s32 @p2 $0x1  }
0x17: {  	s4 =	simm.s32 $0x1BF5;
	[smem:$0x3FBB] =	sst s0  }
0x18: {  	s0 =	sld [smem:$0x3F9E];
	_ =	swait.ge [sflag:s4], $0x0  }
0x19: {  	s7 =	sld [smem:$0x3F9F]  }
0x1a: {  	s8 =	sadd.s32 $0xFFFFE003, lr  }
0x1b: {  	s9 =	sadd.s32 $0xFFFFFEF7, lr;
	s5 =	simm.s32 $0xFFFFFFFF;
	p2 =	slt.u32 s8, $0xFFFFF086  }
0x1c: {  	p1 =	slt.u32 s9, $0xF7A;
	s5 =	simm.s32 @!p2 $0x0  }
0x1d: {  	s5 =	simm.s32 @p1 $0x1;
	p0 =	seq.s32 s7, s2  }
0x1e: {  	s7 =	smul.u32 @!p0 $0xF7A, s2;
	p2 =	seq.s32 @!p0 s5, $0x0  }
0x1f: {  	s9 =	smul.u32 $0xF7A, s1;
	s8 =	simm.s32 @!p0 $0x1BF5;
	p2 =	por !p2, p0  }
0x20: {  	[sflag:s8] =	ssyncset.s32 @!p0 $0xFFFFF086;
	s6 =	sadd.s32 @!p0 s3, s7;
	s7 =	simm.s32 @!p0 $0x108  }
0x21: {  	s3 =	sadd.s32 s3, s9;
	s6 =	sadd.s32 @!p0 $0x88, s6;
	s7 =	simm.s32 @p2 $0x1082  }
0x22: {  	[simem:s7], [sflag:s8] =	dma.local @!p0 [hbm:s6], $0xF7A  }
0x23: {  	s9 =	sor.u32 $0xD0000000, s2;
	s6 =	simm.s32 $0x108;
	_ =	swait.ge @!p0 [sflag:s8], $0x0  }
0x24: {  	s3 =	sadd.s32 $0x88, s3;
	s6 =	simm.s32 @!p1 $0x1082;
	[sflag:s4] =	ssyncset.s32 $0xFFFFF086  }
0x25: {  	[simem:s6], [sflag:s4] =	dma.local [hbm:s3], $0xF7A  }
0x26: {  	[smem:$0x3F9F] =	sst s1;
	(tag) =	ssettag s2;
	_ =	strace s9  }
0x27: {  	s1 =	sld [smem:$0x3FAF]  }
0x28: {  	s2 =	sld [smem:$0x3FB0]  }
0x29: {  	s4 =	sld [smem:$0x3FB2]  }
0x2a: {  	p0 =	seq.s32 s5, $0x0;
	s5 =	sld [smem:$0x3FB3]  }
0x2b: {  	s6 =	sld [smem:$0x3FB4]  }
0x2c: {  	s7 =	sld [smem:$0x3FB5]  }
0x2d: {  	s3 =	simm.s32 $0x108;
	s8 =	sld [smem:$0x3FB6]  }
0x2e: {  	s3 =	simm.s32 @!p0 $0x1082;
	s9 =	sld [smem:$0x3FB7]  }
0x2f: {  	lr =	sadd.s32 s0, s3;
	s0 =	sld [smem:$0x3FAE]  }
0x30: {  	s3 =	sld [smem:$0x3FB1]  }
0x31: {  	[smem:$0x3FBA] =	sst s10  }
0x32: {  	s10 =	sld [smem:$0x3FB8];
	_ =	sdelay $0x3  }
0x33: {  	p0 =	seq.s32 s10, $0x1;
	s10 =	sld [smem:$0x3FBA];
	_ =	sdelay $0x3  }
0x34: {  	[smem:$0x3FBA] =	sst s10  }
0x35: {  	s10 =	sld [smem:$0x3FB9];
	_ =	sdelay $0x3  }
0x36: {  	p1 =	seq.s32 s10, $0x1;
	s10 =	sld [smem:$0x3FBA];
	_ =	sdelay $0x3  }
0x37: {  	[smem:$0x3FBA] =	sst s10  }
0x38: {  	s10 =	sld [smem:$0x3FBB]  }
0x39: {  	_ = 	snop;
	(pc) =	sbr.ind lr, $3  }
0x3a: {  	_ = 	snop  }
0x3b: {  	_ = 	snop  }
0x3c: {  	p2 =	seq.s32 s10, $0x1;
	s10 =	sld [smem:$0x3FBA]  }
0x3d: {  	_ =	shalt  }
0x3e: {  	_ =	shalt  }
0x3f: {  	_ =	shalt  }
0x40: {  	_ =	shalt  }
0x41: {  	_ =	shalt  }
0x42: {  	_ =	shalt  }
0x43: {  	_ =	shalt  }
0x44: {  	_ =	shalt  }
0x45: {  	_ =	shalt  }
0x46: {  	_ =	shalt  }
0x47: {  	_ =	shalt  }
0x48: {  	_ =	shalt  }
0x49: {  	_ =	shalt  }
0x4a: {  	_ =	shalt  }
0x4b: {  	_ =	shalt  }
0x4c: {  	_ =	shalt  }
0x4d: {  	_ =	shalt  }
0x4e: {  	_ =	shalt  }
0x4f: {  	_ =	shalt  }
0x50: {  	_ =	shalt  }
0x51: {  	_ =	shalt  }
0x52: {  	_ =	shalt  }
0x53: {  	_ =	shalt  }
0x54: {  	_ =	shalt  }
0x55: {  	_ =	shalt  }
0x56: {  	_ =	shalt  }
0x57: {  	_ =	shalt  }
0x58: {  	_ =	shalt  }
0x59: {  	_ =	shalt  }
0x5a: {  	_ =	shalt  }
0x5b: {  	_ =	shalt  }
0x5c: {  	_ =	shalt  }
0x5d: {  	_ =	shalt  }
0x5e: {  	_ =	shalt  }
0x5f: {  	_ =	shalt  }
0x60: {  	_ =	shalt  }
0x61: {  	_ =	shalt  }
0x62: {  	_ =	shalt  }
0x63: {  	_ =	shalt  }
0x64: {  	_ =	shalt  }
0x65: {  	_ =	shalt  }
0x66: {  	_ =	shalt  }
0x67: {  	_ =	shalt  }
0x68: {  	_ =	shalt  }
0x69: {  	_ =	shalt  }
0x6a: {  	_ =	shalt  }
0x6b: {  	_ =	shalt  }
0x6c: {  	_ =	shalt  }
0x6d: {  	_ =	shalt  }
0x6e: {  	_ =	shalt  }
0x6f: {  	_ =	shalt  }
0x70: {  	_ =	shalt  }
0x71: {  	_ =	shalt  }
0x72: {  	_ =	shalt  }
0x73: {  	_ =	shalt  }
0x74: {  	_ =	shalt  }
0x75: {  	_ =	shalt  }
0x76: {  	_ =	shalt  }
0x77: {  	_ =	shalt  }
0x78: {  	_ =	shalt  }
0x79: {  	_ =	shalt  }
0x7a: {  	_ =	shalt  }
0x7b: {  	_ =	shalt  }
0x7c: {  	_ =	shalt  }
0x7d: {  	_ =	shalt  }
0x7e: {  	_ =	shalt  }
0x7f: {  	_ =	shalt  }
0x80: {  	_ =	shalt  }
0x81: {  	_ =	shalt  }
0x82: {  	_ =	shalt  }
0x83: {  	_ =	shalt  }
0x84: {  	_ =	shalt  }
0x85: {  	_ =	shalt  }
0x86: {  	_ =	shalt  }
0x87: {  	_ =	shalt  }
.Lfunc_end0:
.L_simem_size_0:
called_computation_lowered:
.L_overlay_start_0:
0x88: {  	s2 =	sld [smem:$0x3FD9]  }
0x89: {  	s3 =	sld [smem:$0x3FFE];
	_ =	sdelay $0x1  }
0x8a: {  	s1 =	srdreg.scid  }
0x8b: {  	s0 =	sand.u32 $0x1, s1  }
0x8c: {  	s17 =	sshll.u32 s0, $0xA;
	s2 =	sadd.s32 s3, s2  }
0x8d: {  	s2 =	sadd.s32 s2, s17  }
0x8e: {  	[smem:$0x3FC6] =	sst s2  }
0x8f: {  	_ = 	snop  }
0x90: {  	s2 =	sld [smem:$0x3FC8]  }
0x91: {  	s18 =	sld [smem:$0x3FD0];
	(tm) =	ssettm $0x1  }
0x92: {  	s4 =	sld [smem:$0x3FFB];
	_ =	sdelay $0x3  }
0x93: {  	_ =	strace s4  }
0x94: {  	s4 =	sld [smem:$0x3FFC];
	_ =	sdelay $0x3  }
0x95: {  	_ =	strace s4  }
0x96: {  	s4 =	sld [smem:$0x3FFD];
	_ =	sdelay $0x3  }
0x97: {  	_ =	strace s4  }
0x98: {  	_ =	strace $0x8FFFFFFF  }
0x99: {  	s19 =	sld [smem:$0x3FDB];
	_ =	sdelay $0x1  }
0x9a: {  	s5 =	simm.s32 $_scs_section_size  }
0x9b: {  	s6 =	simm.s32 $_size__tile_overlayer_lowered;
	s7 =	simm.s32 $_tile_overlayer_lowered  }
0x9c: {  	s22 =	simm.s32 $0x1BFF;
	s21 =	sshll.u32 s7, $0x1;
	s4 =	sadd.s32 s5, s19  }
0x9d: {  	s8 =	simm.s32 $0x0;
	s20 =	sshll.u32 s6, $0x1;
	s6 =	sadd.s32 s21, s4  }
0x9e: {  	[timem:s8], [sflag:s22] =	dma.local [hbm:s6], s20  }
0x9f: {  	_ =	swait.ge [sflag:s22], s20  }
0xa0: {  	s5 =	ssub.s32 $0x0, s20;
	[sflag:s22] =	ssyncset.done $0x0  }
0xa1: {  	[sflag:s22] =	ssyncadd.s32 s5;
	_ =	sdelay $0x1  }
0xa2: {  	s23 =	simm.s32 $0x1B8B  }
0xa3: {  	_ =	swait.ge [sflag:s23], $0x1  }
0xa4: {  	[sflag:s23] =	ssyncset.done $0x0  }
0xa5: {  	s25 =	simm.s32 $0x1B8E;
	s24 =	sld [smem:$0x3FFE];
	[sflag:s23] =	ssyncadd.s32 $0xFFFFFFFF  }
0xa6: {  	s26 =	simm.s32 $execute0_lowered;
	[smem:$0x3FD2] =	sst s25  }
0xa7: {  	s6 =	sshll.u32 s26, $0x1;
	_ =	strace $0x80000046;
	[dreg:$0x1] =	wrdreg $0xFFFFFFFF  }
0xa8: {  	s28 =	simm.s32 $_size_execute0_lowered;
	s4 =	sadd.s32 s4, s6;
	[dreg:$0x0] =	wrdreg $0x0  }
0xa9: {  	s6 =	sshll.u32 s28, $0x1;
	[dreg:$0x2] =	wrdreg s4  }
0xaa: {  	[dreg:$0x3] =	wrdreg s6  }
0xab: {  	[dreg:$0x4] =	wrdreg $0xC0  }
0xac: {  	_ =	task [dreg:s8], $0x5FFFF  }
0xad: {  	[dreg:$0x1] =	wrdreg $0xFFFFFFFF  }
0xae: {  	[dreg:$0x0] =	wrdreg $0x60  }
0xaf: {  	[dreg:$0x2] =	wrdreg s2  }
0xb0: {  	[dreg:$0x3] =	wrdreg s24  }
0xb1: {  	[dreg:$0x4] =	wrdreg s18  }
0xb2: {  	[dreg:$0x5] =	wrdreg $0x9  }
0xb3: {  	_ =	task.clear_ibuf [dreg:s8], $0x6FFFF;
	_ =	strace $0x90000046  }
0xb4: {  	s29 =	simm.s32 $0x9;
	_ =	strace $0x80000048  }
0xb5: {  	_ =	swait.ge [sflag:s29], $0x1  }
0xb6: {  	[sflag:s29] =	ssyncadd.s32 $0xFFFFFFFF  }
0xb7: {  	_ =	strace $0x90000048  }
0xb8: {  	_ =	sfence  }
0xb9: {  	s30 =	sld [smem:$0x0];
	_ =	sdelay $0x2  }
0xba: {  	s31 =	sshll.u32 s1, $0xD;
	s1 =	sshrl.u32 s1, $0x2  }
0xbb: {  	s3 =	sand.u32 $0x4000, s31;
	s1 =	sadd.s32 s1, s30  }
0xbc: {  	s0 =	sor.u32 s3, s0;
	s1 =	sshll.u32 s1, $0x11  }
0xbd: {  	s0 =	sor.u32 s1, s0  }
0xbe: {  	s0 =	sadd.s32 $0x8F2B, s0  }
0xbf: {  	[sflag:s0] =	ssyncadd.remote.s32 $0x1  }
0xc0: {  	_ =	sfence.sel $0xFFFF  }
0xc1: {  	[dreg:$0x0] =	wrdreg $0xFFFFFFFF;
	(pc) =	sbr.abs _section_cstart, $3  }
0xc2: {  	[dreg:$0x1] =	wrdreg $0xFFFFFFFF  }
0xc3: {  	_ =	task.clear_ibuf [dreg:s8], $0x2FFFF;
	_ =	strace $0x9FFFFFFF  }
0xc4: {  	(tm) =	ssettm $0x7FFFFFFF  }
0xc5: {  	_ =	shalt  }
tec
execute0_lowered:
.L_overlay_start_1:
0x0: {  	(tag) =	ssettag $0x1  }
0x1: {  	s1 =	rddreg [dreg:$0x0]  }
0x2: {  	s0 =	rddreg [dreg:$0x1]  }
0x3: {  	s2 =	srdreg.scid;
	s10 =	stileid.u32  }
0x4: {  	s4 =	rddreg [dreg:$0x2];
	s3 =	simm.s32 $0x0;
	s12 =	simm.s32 $0xC  }
0x5: {  	s14 =	simm.s32 $0x80;
	s15 =	simm.s32 $0x1C00;
	s16 =	simm.s32 $0x5C00  }
0x6: {  	s18 =	simm.s32 $0x9C00;
	s20 =	simm.s32 $0xDC00;
	s21 =	simm.s32 $0x1  }
0x7: {  	s28 =	simm.s32 $0x3;
	s29 =	simm.s32 $0x7;
	s30 =	simm.s32 $0x4  }
0x8: {  	s31 =	simm.s32 $0x8;
	s2 =	sand.u32 $0x1, s2;
	s5 =	sshll.u32 s10, $0x1  }
0x9: {  	s13 =	simm.s32 $0xA;
	s10 =	smul.u32 $0x32000, s10;
	s5 =	sor.u32 s2, s5  }
0xa: {  	s17 =	simm.s32 $0x0;
	[smem:$0x7FF] =	sst s3;
	s6 =	smul.u32 $0x1C00, s5  }
0xb: {  	_ =	strace $0x80000047;
	s7 =	ssub.s32 $0x2, s2;
	s2 =	smul.u32 $0x19000, s2  }
0xc: {  	s23 =	sshrl.u32 s7, $0x1;
	s9 =	smul.u32 $0xC8000, s5;
	s6 =	sshrl.u32 s6, $0x3  }
0xd: {  	s8 =	smul.u32 $0x19000, s5;
	s11 =	ssub.s32 s7, s23;
	s0 =	sadd.s32 s6, s0  }
0xe: {  	s23 =	simm.s32 $0x11C00;
	s25 =	sshrl.u32 s9, $0x3;
	s24 =	sadd.s32 $0x400, s0  }
0xf: {  	s6 =	sadd.s32 s4, s8;
	s0 =	sadd.s32 $0x480, s0;
	[dreg:$0x5] =	wrdreg s24  }
0x10: {  	s11 =	smax.u32 s11, $0x1;
	s7 =	sadd.s32 $0x800, s6;
	[dreg:$0x6] =	wrdreg s0  }
0x11: {  	s0 =	sadd.s32 s4, s25;
	s4 =	sadd.s32 s10, s4;
	s24 =	simm.s32 $0x2  }
0x12: {  	s25 =	simm.s32 $0xB;
	s8 =	sadd.s32 $0x17800, s0;
	s9 =	sadd.s32 $0x18000, s0  }
0x13: {  	s10 =	sadd.s32 $0x18800, s0;
	s26 =	sadd.s32 s2, s4;
	s2 =	simm.s32 $0x5  }
0x14: {  	s0 =	simm.s32 $0x9;
	[dreg:$0x4] =	wrdreg s26;
	s26 =	simm.s32 $0x6  }
.LBB2_1:
0x15: {  	s4 =	rddreg [dreg:$0x5]  }
0x16: {  	[tilespmem:s3], [sflag:$0xC] =	stream.linear.gather [hbm4b:s4+s3], $0x400, $0x38;
	[tilespmem:$0x15C00] =	vst v63  }
0x17: {  	_ =	swait.ge [sflag:s12], $0x400  }
0x18: {  	[sflag:s12] =	ssyncset.done $0x0  }
0x19: {  	s5 =	simm.s32 $0x400;
	s22 =	rddreg [dreg:$0x6];
	[sflag:s12] =	ssyncadd.s32 $0xFFFFFC00  }
0x1a: {  	[tilespmem:s5], [sflag:$0xB] =	stream.linear.gather [hbm4b:s22+s3], $0x1500, $0x38;
	[tilespmem:$0x15C00] =	vst v63  }
0x1b: {  	_ = 	snop  }
0x1c: {  	[tilespmem:s15], [sflag:$0x1] =	stream.indirect.gather [hbm4b:s1+s14], $0x80, s3, s14, $0xb8;
	[tilespmem:$0x15C00] =	vst v63  }
0x1d: {  	_ = 	snop  }
0x1e: {  	[tilespmem:s16], [sflag:$0x2] =	stream.indirect.gather [hbm4b:s1+s14], $0x80, s14, s14, $0xb8;
	[tilespmem:$0x15C00] =	vst v63  }
0x1f: {  	s5 =	simm.s32 $0x100  }
0x20: {  	[tilespmem:s18], [sflag:$0x3] =	stream.indirect.gather [hbm4b:s1+s14], $0x80, s5, s14, $0xb8;
	[tilespmem:$0x15C00] =	vst v63  }
0x21: {  	s19 =	simm.s32 $0x180  }
0x22: {  	[tilespmem:s20], [sflag:$0x4] =	stream.indirect.gather [hbm4b:s1+s14], $0x80, s19, s14, $0xb8;
	[tilespmem:$0x15C00] =	vst v63  }
0x23: {  	_ =	swait.ge [sflag:s21], $0x4000  }
0x24: {  	[sflag:s21] =	ssyncset.done $0x0  }
0x25: {  	[sflag:s21] =	ssyncadd.s32 $0xFFFFC000  }
0x26: {  	[hbm4b:s6+s3] =	stream.linear.scatter [tilespmem:s15], [sflag:$0x6], $0x4000, $0x38;
	[tilespmem:$0x15C00] =	vst v63  }
0x27: {  	s22 =	simm.s32 $0x200  }
0x28: {  	[tilespmem:s23], [sflag:$0x5] =	stream.indirect.gather [hbm4b:s1+s14], $0x80, s22, s14, $0xb8;
	[tilespmem:$0x15C00] =	vst v63  }
0x29: {  	_ =	swait.ge [sflag:s24], $0x4000  }
0x2a: {  	[sflag:s24] =	ssyncset.done $0x0  }
0x2b: {  	[sflag:s24] =	ssyncadd.s32 $0xFFFFC000  }
0x2c: {  	[hbm4b:s7+s3] =	stream.linear.scatter [tilespmem:s16], [sflag:$0x7], $0x4000, $0x38;
	[tilespmem:$0x15C00] =	vst v63  }
0x2d: {  	_ =	swait.ge [sflag:s25], $0x1500  }
0x2e: {  	[sflag:s25] =	ssyncset.done $0x0  }
0x2f: {  	[sflag:s25] =	ssyncadd.s32 $0xFFFFEB00  }
0x30: {  	_ =	swait.ge [sflag:s26], $0x4000  }
0x31: {  	[sflag:s26] =	ssyncset.done $0x0  }
0x32: {  	s5 =	simm.s32 $0x280;
	[sflag:s26] =	ssyncadd.s32 $0xFFFFC000  }
0x33: {  	[tilespmem:s15], [sflag:$0x1] =	stream.indirect.gather [hbm4b:s1+s14], $0x80, s5, s14, $0xb8;
	[tilespmem:$0x15C00] =	vst v63  }
0x34: {  	_ =	swait.ge [sflag:s28], $0x4000  }
0x35: {  	s19 =	rddreg [dreg:$0x4]  }
0x36: {  	[sflag:s28] =	ssyncset.done $0x0;
	s4 =	sadd.s32 $0x0, s19  }
0x37: {  	[sflag:s28] =	ssyncadd.s32 $0xFFFFC000;
	s19 =	sadd.s32 $0x1000, s4  }
0x38: {  	[hbm4b:s19+s3] =	stream.linear.scatter [tilespmem:s18], [sflag:$0x8], $0x4000, $0x38;
	[tilespmem:$0x15C00] =	vst v63  }
0x39: {  	_ =	swait.ge [sflag:s29], $0x4000  }
0x3a: {  	[sflag:s29] =	ssyncset.done $0x0  }
0x3b: {  	s22 =	simm.s32 $0x300;
	[sflag:s29] =	ssyncadd.s32 $0xFFFFC000  }
0x3c: {  	[tilespmem:s16], [sflag:$0x2] =	stream.indirect.gather [hbm4b:s1+s14], $0x80, s22, s14, $0xb8;
	[tilespmem:$0x15C00] =	vst v63  }
0x3d: {  	_ =	swait.ge [sflag:s30], $0x4000  }
0x3e: {  	[sflag:s30] =	ssyncset.done $0x0  }
0x3f: {  	s5 =	sadd.s32 $0x1800, s4;
	[sflag:s30] =	ssyncadd.s32 $0xFFFFC000  }
0x40: {  	[hbm4b:s5+s3] =	stream.linear.scatter [tilespmem:s20], [sflag:$0x9], $0x4000, $0x38;
	[tilespmem:$0x15C00] =	vst v63  }
0x41: {  	_ =	swait.ge [sflag:s31], $0x4000  }
0x42: {  	[sflag:s31] =	ssyncset.done $0x0  }
0x43: {  	s22 =	simm.s32 $0x380;
	[sflag:s31] =	ssyncadd.s32 $0xFFFFC000  }
0x44: {  	[tilespmem:s18], [sflag:$0x3] =	stream.indirect.gather [hbm4b:s1+s14], $0x80, s22, s14, $0xb8;
	[tilespmem:$0x15C00] =	vst v63  }
0x45: {  	_ =	swait.ge [sflag:s2], $0x4000  }
0x46: {  	[sflag:s2] =	ssyncset.done $0x0  }
0x47: {  	s5 =	sadd.s32 $0x2000, s4;
	[sflag:s2] =	ssyncadd.s32 $0xFFFFC000  }
0x48: {  	[hbm4b:s5+s3] =	stream.linear.scatter [tilespmem:s23], [sflag:$0xA], $0x4000, $0x38;
	[tilespmem:$0x15C00] =	vst v63  }
0x49: {  	_ =	swait.ge [sflag:s0], $0x4000  }
0x4a: {  	[sflag:s0] =	ssyncset.done $0x0  }
0x4b: {  	s22 =	simm.s32 $0x400;
	[sflag:s0] =	ssyncadd.s32 $0xFFFFC000  }
0x4c: {  	[tilespmem:s20], [sflag:$0x4] =	stream.indirect.gather [hbm4b:s1+s14], $0x80, s22, s14, $0xb8;
	[tilespmem:$0x15C00] =	vst v63  }
0x4d: {  	_ =	swait.ge [sflag:s21], $0x4000  }
0x4e: {  	[sflag:s21] =	ssyncset.done $0x0  }
0x4f: {  	s5 =	sadd.s32 $0x2800, s4;
	[sflag:s21] =	ssyncadd.s32 $0xFFFFC000  }
0x50: {  	[hbm4b:s5+s3] =	stream.linear.scatter [tilespmem:s15], [sflag:$0x6], $0x4000, $0x38;
	[tilespmem:$0x15C00] =	vst v63  }
0x51: {  	_ =	swait.ge [sflag:s13], $0x4000  }
0x52: {  	[sflag:s13] =	ssyncset.done $0x0  }
0x53: {  	s22 =	simm.s32 $0x480;
	[sflag:s13] =	ssyncadd.s32 $0xFFFFC000  }
0x54: {  	[tilespmem:s23], [sflag:$0x5] =	stream.indirect.gather [hbm4b:s1+s14], $0x80, s22, s14, $0xb8;
	[tilespmem:$0x15C00] =	vst v63  }
0x55: {  	_ =	swait.ge [sflag:s24], $0x4000  }
0x56: {  	s19 =	simm.s32 $0x2800;
	[sflag:s24] =	ssyncset.done $0x0  }
0x57: {  	s4 =	sadd.s32 $0x3000, s4;
	s22 =	simm.s32 $0x700;
	[sflag:s24] =	ssyncadd.s32 $0xFFFFC000  }
.LBB2_2:
0x58: {  	[hbm4b:s4+s3] =	stream.linear.scatter [tilespmem:s16], [sflag:$0x7], $0x4000, $0x38;
	[tilespmem:$0x15C00] =	vst v63  }
0x59: {  	_ =	swait.ge [sflag:s26], $0x4000  }
0x5a: {  	[sflag:s26] =	ssyncset.done $0x0  }
0x5b: {  	s5 =	sadd.s32 $0xFFFFFE00, s22;
	[sflag:s26] =	ssyncadd.s32 $0xFFFFC000  }
0x5c: {  	[tilespmem:s15], [sflag:$0x1] =	stream.indirect.gather [hbm4b:s1+s14], $0x80, s5, s14, $0xb8;
	[tilespmem:$0x15C00] =	vst v63  }
0x5d: {  	_ =	swait.ge [sflag:s28], $0x4000  }
0x5e: {  	s4 =	smov.u32 s19;
	s5 =	rddreg [dreg:$0x4]  }
0x5f: {  	[sflag:s28] =	ssyncset.done $0x0;
	s4 =	sadd.s32 s4, s5  }
0x60: {  	[sflag:s28] =	ssyncadd.s32 $0xFFFFC000;
	s5 =	sadd.s32 $0x1000, s4  }
0x61: {  	[hbm4b:s5+s3] =	stream.linear.scatter [tilespmem:s18], [sflag:$0x8], $0x4000, $0x38;
	[tilespmem:$0x15C00] =	vst v63  }
0x62: {  	_ =	swait.ge [sflag:s29], $0x4000  }
0x63: {  	[sflag:s29] =	ssyncset.done $0x0  }
0x64: {  	s5 =	sadd.s32 $0xFFFFFE80, s22;
	[sflag:s29] =	ssyncadd.s32 $0xFFFFC000  }
0x65: {  	[tilespmem:s16], [sflag:$0x2] =	stream.indirect.gather [hbm4b:s1+s14], $0x80, s5, s14, $0xb8;
	[tilespmem:$0x15C00] =	vst v63  }
0x66: {  	_ =	swait.ge [sflag:s30], $0x4000  }
0x67: {  	[sflag:s30] =	ssyncset.done $0x0  }
0x68: {  	s5 =	sadd.s32 $0x1800, s4;
	[sflag:s30] =	ssyncadd.s32 $0xFFFFC000  }
0x69: {  	[hbm4b:s5+s3] =	stream.linear.scatter [tilespmem:s20], [sflag:$0x9], $0x4000, $0x38;
	[tilespmem:$0x15C00] =	vst v63  }
0x6a: {  	_ =	swait.ge [sflag:s31], $0x4000  }
0x6b: {  	[sflag:s31] =	ssyncset.done $0x0  }
0x6c: {  	s5 =	sadd.s32 $0xFFFFFF00, s22;
	[sflag:s31] =	ssyncadd.s32 $0xFFFFC000  }
0x6d: {  	[tilespmem:s18], [sflag:$0x3] =	stream.indirect.gather [hbm4b:s1+s14], $0x80, s5, s14, $0xb8;
	[tilespmem:$0x15C00] =	vst v63  }
0x6e: {  	_ =	swait.ge [sflag:s2], $0x4000  }
0x6f: {  	[sflag:s2] =	ssyncset.done $0x0  }
0x70: {  	s5 =	sadd.s32 $0x2000, s4;
	[sflag:s2] =	ssyncadd.s32 $0xFFFFC000  }
0x71: {  	[hbm4b:s5+s3] =	stream.linear.scatter [tilespmem:s23], [sflag:$0xA], $0x4000, $0x38;
	[tilespmem:$0x15C00] =	vst v63  }
0x72: {  	_ =	swait.ge [sflag:s0], $0x4000  }
0x73: {  	[sflag:s0] =	ssyncset.done $0x0  }
0x74: {  	s5 =	sadd.s32 $0xFFFFFF80, s22;
	[sflag:s0] =	ssyncadd.s32 $0xFFFFC000  }
0x75: {  	[tilespmem:s20], [sflag:$0x4] =	stream.indirect.gather [hbm4b:s1+s14], $0x80, s5, s14, $0xb8;
	[tilespmem:$0x15C00] =	vst v63  }
0x76: {  	_ =	swait.ge [sflag:s21], $0x4000  }
0x77: {  	[sflag:s21] =	ssyncset.done $0x0  }
0x78: {  	s5 =	sadd.s32 $0x2800, s4;
	[sflag:s21] =	ssyncadd.s32 $0xFFFFC000  }
0x79: {  	[hbm4b:s5+s3] =	stream.linear.scatter [tilespmem:s15], [sflag:$0x6], $0x4000, $0x38;
	[tilespmem:$0x15C00] =	vst v63  }
0x7a: {  	_ =	swait.ge [sflag:s13], $0x4000  }
0x7b: {  	p0 =	sne.s32 s19, $0x14000;
	[sflag:s13] =	ssyncset.done $0x0  }
.Ltmp0:
0x7c: {  	[sflag:s13] =	ssyncadd.s32 $0xFFFFC000;
	(pc) =	sbr.rel @p0 .LBB2_2-.Ltmp0, $4  }
0x7d: {  	[tilespmem:s23], [sflag:$0x5] =	stream.indirect.gather [hbm4b:s1+s14], $0x80, s22, s14, $0xb8;
	[tilespmem:$0x15C00] =	vst v63  }
0x7e: {  	_ =	swait.ge [sflag:s24], $0x4000  }
0x7f: {  	s19 =	sadd.s32 $0x2800, s19;
	[sflag:s24] =	ssyncset.done $0x0  }
0x80: {  	s4 =	sadd.s32 $0x3000, s4;
	s22 =	sadd.s32 $0x280, s22;
	[sflag:s24] =	ssyncadd.s32 $0xFFFFC000  }
0x81: {  	[hbm4b:s4+s3] =	stream.linear.scatter [tilespmem:s16], [sflag:$0x7], $0x4000, $0x38;
	[tilespmem:$0x15C00] =	vst v63  }
0x82: {  	_ =	swait.ge [sflag:s28], $0x4000  }
0x83: {  	[sflag:s28] =	ssyncset.done $0x0  }
0x84: {  	[sflag:s28] =	ssyncadd.s32 $0xFFFFC000  }
0x85: {  	[hbm4b:s8+s3] =	stream.linear.scatter [tilespmem:s18], [sflag:$0x8], $0x4000, $0x38;
	[tilespmem:$0x15C00] =	vst v63  }
0x86: {  	_ =	swait.ge [sflag:s30], $0x4000  }
0x87: {  	[sflag:s30] =	ssyncset.done $0x0  }
0x88: {  	[sflag:s30] =	ssyncadd.s32 $0xFFFFC000  }
0x89: {  	[hbm4b:s9+s3] =	stream.linear.scatter [tilespmem:s20], [sflag:$0x9], $0x4000, $0x38;
	[tilespmem:$0x15C00] =	vst v63  }
0x8a: {  	_ =	swait.ge [sflag:s2], $0x4000  }
0x8b: {  	[sflag:s2] =	ssyncset.done $0x0  }
0x8c: {  	[sflag:s2] =	ssyncadd.s32 $0xFFFFC000  }
0x8d: {  	[hbm4b:s10+s3] =	stream.linear.scatter [tilespmem:s23], [sflag:$0xA], $0x4000, $0x38;
	[tilespmem:$0x15C00] =	vst v63  }
0x8e: {  	_ =	swait.ge [sflag:s26], $0x4000  }
0x8f: {  	[sflag:s26] =	ssyncset.done $0x0  }
0x90: {  	[sflag:s26] =	ssyncadd.s32 $0xFFFFC000  }
0x91: {  	_ =	swait.ge [sflag:s29], $0x4000  }
0x92: {  	[sflag:s29] =	ssyncset.done $0x0  }
0x93: {  	[sflag:s29] =	ssyncadd.s32 $0xFFFFC000  }
0x94: {  	_ =	swait.ge [sflag:s31], $0x4000  }
0x95: {  	[sflag:s31] =	ssyncset.done $0x0  }
0x96: {  	s17 =	sadd.s32 $0x1, s17;
	[sflag:s31] =	ssyncadd.s32 $0xFFFFC000  }
0x97: {  	p0 =	sne.s32 s17, s11;
	_ =	swait.ge [sflag:s0], $0x4000  }
.Ltmp1:
0x98: {  	[sflag:s0] =	ssyncset.done $0x0;
	(pc) =	sbr.rel @p0 .LBB2_1-.Ltmp1, $4  }
0x99: {  	[sflag:s0] =	ssyncadd.s32 $0xFFFFC000  }
0x9a: {  	_ =	swait.ge [sflag:s13], $0x4000  }
0x9b: {  	[sflag:s13] =	ssyncset.done $0x0  }
0x9c: {  	[sflag:s13] =	ssyncadd.s32 $0xFFFFC000  }
0x9d: {  	_ =	sfence.sel $0x180000  }
0x9e: {  	[bflag:$0x0] =	sbarrier.arrive $0xFFFF  }
0x9f: {  	_ =	strace $0x90000047  }
0xa0: {  	s0 =	stileid.u32;
	[bflag:$0x2] =	sbarrier.arrive $0xFFFF  }
0xa1: {  	p0 =	sne.s32 s0, $0x0;
	s0 =	rddreg [dreg:$0x3]  }
0xa2: {  	s0 =	sadd.s32 @!p0 $0x100000, s0  }
0xa3: {  	[sflag:s0] =	ssyncadd.tile.s32 @!p0 $0x1;
	_ =	shalt  }
.Lfunc_end2:
_tile_overlayer_lowered:
.L_overlay_start_2:
0xa4: {  	(tag) =	ssettag $0x2  }
0xa5: {  	s0 =	rddreg [dreg:$0x0];
	s2 =	stileid.u32  }
0xa6: {  	s1 =	rddreg [dreg:$0x1];
	p0 =	sne.s32 s2, $0x0  }
0xa7: {  	s3 =	rddreg [dreg:$0x2];
	[bflag:$0x3] =	sbarrier.arrive $0xFFFF;
	s2 =	simm.s32 @!p0 $0x1C0C  }
0xa8: {  	[timem:s3], [sflag:s2] =	dma.local @!p0 [hbm:s0], s1  }
0xa9: {  	s0 =	simm.s32 @!p0 $0xC  }
0xaa: {  	_ =	swait.ge @!p0 [sflag:s0], s1  }
0xab: {  	s1 =	ssub.s32 @!p0 $0x0, s1;
	[sflag:s0] =	ssyncset.done @!p0 $0x0  }
0xac: {  	[sflag:s0] =	ssyncadd.s32 @!p0 s1  }
0xad: {  	[bflag:$0x3] =	sbarrier.arrive $0xFFFF  }
0xae: {  	_ =	shalt  }

</sc_bundles>
